<compile_context>
chip_gen: v7x
topology: tpu7x:2x2x1
jax: 0.10.2.dev20260603
libtpu: 0.0.44.dev20260713+nightly
codegen_flags: <defaults>
</compile_context>

<pallas_src>
import functools

import jax
import jax.numpy as jnp
from jax import lax
from jax.experimental import pallas as pl
from jax.experimental.pallas import tpu as pltpu
from jax.experimental.pallas import tpu_sc as plsc

SEQ = 2048
K = 16
NE = SEQ * K
TW = 128
CH = 128
SQRT_EPS = 1e-3
DIST_EPS = 0.01

NCORES = 2
NSUB = 16
NW = NCORES * NSUB


def _table_body(xp_ref, c_ref, t_ref):
    n = c_ref.shape[0]
    m = (c_ref[...] > 0).astype(jnp.float32)
    z1 = jnp.zeros((1, 1), jnp.float32)
    m3 = jnp.concatenate([z1, m[:-1]], axis=0) * m * \
        jnp.concatenate([m[1:], z1], axis=0)
    z4 = jnp.zeros((1, 4), jnp.float32)
    planes = []
    for d in range(3):
        xd = xp_ref[d]
        left = jnp.concatenate([z4, xd[:-1]], axis=0)
        right = jnp.concatenate([xd[1:], z4], axis=0)
        planes.append(jnp.concatenate([left, xd, right], axis=1))
    pad = jnp.zeros((n, TW - 37), jnp.float32)
    t_ref[...] = jnp.concatenate(planes + [m3, pad], axis=1)


def _build_table(xp, c2):
    return pl.pallas_call(
        _table_body,
        out_shape=jax.ShapeDtypeStruct((SEQ, TW), jnp.float32),
    )(xp, c2)


def _sc_gather(table, idx2d):
    bpw = NE // NW
    nch = bpw // CH
    mesh = plsc.VectorSubcoreMesh(core_axis_name="c", subcore_axis_name="s")

    @functools.partial(
        pl.kernel,
        mesh=mesh,
        out_type=jax.ShapeDtypeStruct((NE, TW), jnp.float32),
        scratch_types=[
            pltpu.VMEM((nch, CH), jnp.int32),
            pltpu.VMEM((4 * CH, TW), jnp.float32),
            pltpu.SemaphoreType.DMA,
        ],
        compiler_params=pltpu.CompilerParams(use_tc_tiling_on_sc=True),
    )
    def gk(table_hbm, idx_hbm, out_hbm, idx_v, rows_v, sem):
        wid = lax.axis_index("s") * NCORES + lax.axis_index("c")
        base = wid * bpw
        pltpu.sync_copy(idx_hbm.at[pl.ds(wid * nch, nch)], idx_v)
        for r in range(nch // 4):
            copies = []
            for jj in range(4):
                copies.append(pltpu.async_copy(
                    table_hbm.at[idx_v.at[r * 4 + jj]],
                    rows_v.at[pl.ds(jj * CH, CH)],
                    sem,
                ))
            for c in copies:
                c.wait()
            pltpu.sync_copy(
                rows_v, out_hbm.at[pl.ds(base + r * 4 * CH, 4 * CH)])

    return gk(table, idx2d)


BL = 128
EB = BL * K
CW = 384
OW = 640


def _pair_matrices():
    import numpy as np
    md = np.zeros((72, 3 * CW), np.float32)
    ee = np.zeros((CW, OW), np.float32)
    j = 0
    for p in range(24):
        for q in range(p, 24):
            for d in range(3):
                md[24 * d + p, CW * d + j] += 1.0
                md[24 * d + q, CW * d + j] -= 1.0
            ee[j, 24 * p + q] = 1.0
            ee[j, 24 * q + p] = 1.0
            j += 1
    return (jnp.asarray(md, jnp.bfloat16), jnp.asarray(ee, jnp.bfloat16))


def _edge_body(t_ref, g_ref, md_ref, e_ref, o_ref):
    ti = t_ref[...]
    g = g_ref[...]
    tib = jnp.broadcast_to(ti[:, None, :], (BL, K, TW)).reshape(EB, TW)
    mask = tib[:, 36:37] * g[:, 36:37]
    q72 = jnp.concatenate(
        [jnp.concatenate(
            [tib[:, 12 * d:12 * (d + 1)], g[:, 12 * d:12 * (d + 1)]], axis=1)
         for d in range(3)], axis=1)
    md = md_ref[...]
    q_hi = q72.astype(jnp.bfloat16)
    qr1 = q72 - q_hi.astype(jnp.float32)
    q_mid = qr1.astype(jnp.bfloat16)
    q_lo = (qr1 - q_mid.astype(jnp.float32)).astype(jnp.bfloat16)
    diff = (jnp.dot(q_hi, md, preferred_element_type=jnp.float32)
            + jnp.dot(q_mid, md, preferred_element_type=jnp.float32)
            + jnp.dot(q_lo, md, preferred_element_type=jnp.float32))
    sq = diff * diff
    ssq = sq[:, :CW] + sq[:, CW:2 * CW] + sq[:, 2 * CW:] + SQRT_EPS
    u = jnp.log(jnp.sqrt(ssq) + DIST_EPS) * mask
    u_hi = u.astype(jnp.bfloat16)
    u_lo = (u - u_hi.astype(jnp.float32)).astype(jnp.bfloat16)
    ee = e_ref[...]
    feat = (jnp.dot(u_hi, ee, preferred_element_type=jnp.float32)
            + jnp.dot(u_lo, ee, preferred_element_type=jnp.float32))
    o_ref[...] = feat[:, :576].reshape(BL, K, 576)


def _edge_features(table, g):
    md, ee = _pair_matrices()
    return pl.pallas_call(
        _edge_body,
        grid=(SEQ // BL,),
        in_specs=[
            pl.BlockSpec((BL, TW), lambda i: (i, 0)),
            pl.BlockSpec((EB, TW), lambda i: (i, 0)),
            pl.BlockSpec((72, 3 * CW), lambda i: (0, 0)),
            pl.BlockSpec((CW, OW), lambda i: (0, 0)),
        ],
        out_specs=pl.BlockSpec((BL, K, 576), lambda i: (i, 0, 0)),
        out_shape=jax.ShapeDtypeStruct((SEQ, K, 576), jnp.float32),
    )(table, g, md, ee)


def kernel(X, edge_idx, C):
    b, n = X.shape[0], X.shape[1]
    xp = jnp.transpose(X[0], (2, 0, 1))
    c2 = C[0][:, None].astype(jnp.int32)
    table = _build_table(xp, c2)
    idx2d = edge_idx[0].reshape(NE // CH, CH).astype(jnp.int32)
    g = _sc_gather(table, idx2d)
    out = _edge_features(table, g)
    return out.reshape(b, n, K, 576)

# --- scband reference (transcript-rebuilt; emitter-appended) ---
"""Pipeline reference for scband-edge-distance6grid-23759759081730 (READ-ONLY COPY).

The authoritative reference and input builder live on the scoring server;
editing this copy changes nothing except your own understanding.
"""

import jax, jax.numpy as jnp
import numpy as np

DISTANCE_EPS = 0.01
SQRT_EPS = 1e-3


def collect_neighbors(h, edge_idx):
    # h: (B, L, D), edge_idx: (B, L, K) -> (B, L, K, D)
    return jax.vmap(lambda hb, eb: hb[eb])(h, edge_idx)


def pair_expand(h, edge_idx, collate):
    h_left = jnp.pad(h[:, :-1, :], ((0, 0), (1, 0), (0, 0)))
    h_middle = h
    h_right = jnp.pad(h[:, 1:, :], ((0, 0), (0, 1), (0, 0)))
    h_i = collate((h_left, h_middle, h_right))
    h_j = collect_neighbors(h_i, edge_idx)
    h_i_tile = jnp.broadcast_to(h_i[:, :, None, :], h_j.shape)
    return collate((h_i_tile, h_j))


def setup_inputs(seed: int = 0) -> dict:
    key = jax.random.key(seed)
    k1, k2, k3 = jax.random.split(key, 3)
    X = jax.random.normal(k1, (1, 2048, 4, 3), dtype=jnp.float32)
    edge_idx = jax.random.randint(k2, (1, 2048, 16), 0, 2048, dtype=jnp.int64 if jax.config.jax_enable_x64 else jnp.int32)
    C = jax.random.randint(k3, (1, 2048), 0, 4, dtype=jnp.int64 if jax.config.jax_enable_x64 else jnp.int32)
    return {"X": X, "edge_idx": edge_idx, "C": C}


def reference(X, edge_idx, C):
    B, L = X.shape[0], X.shape[1]
    cat = lambda hs: jnp.concatenate(hs, axis=-1)

    def mul(hs):
        result = hs[0]
        for h_i in hs[1:]:
            result = result * h_i
        return result

    # Edge6grids: build pairwise-concatenated 3mers
    X_flat = X.reshape(B, L, -1)  # (B, L, 12)
    X_ij = pair_expand(X_flat, edge_idx, cat)  # (B, L, K, 72)
    X_ij = X_ij.reshape(X_ij.shape[:-1] + (-1, 3))  # (B, L, K, 24, 3)

    # mask (require_contiguous=False path): field map -> binary mask, multiplicative propagation
    mask = (C > 0).astype(jnp.float32)  # (B, L)
    mask_ij = pair_expand(mask[..., None], edge_idx, mul)  # (B, L, K, 1)

    # geometry.Distances along dim=-2: pairwise distances among the 24 points
    dX = X_ij[..., :, None, :] - X_ij[..., None, :, :]  # (B, L, K, 24, 24, 3)
    D_ij = jnp.sqrt(jnp.sum(dX ** 2, axis=-1) + SQRT_EPS)  # (B, L, K, 24, 24)

    # feature = 'log'
    feature_ij = jnp.log(D_ij + DISTANCE_EPS)
    feature_ij_flat = feature_ij.reshape(D_ij.shape[0], D_ij.shape[1], D_ij.shape[2], -1)  # (B, L, K, 576)
    edge_h = mask_ij * feature_ij_flat
    return edge_h

if __name__ == "__main__":
    import jax
    _d = setup_inputs()
    print(jax.jit(kernel)(*tuple(_d.values())))

</pallas_src>

<mosaic_0001>
#map = affine_map<(d0, d1) -> (0, 0)>
module attributes {stable_mosaic.version = 14 : i64} {
  func.func @gk(%arg0: i32, %arg1: i32, %arg2: memref<2048x128xf32, #tpu.memory_space<hbm>>, %arg3: memref<256x128xi32, #tpu.memory_space<hbm>>, %arg4: memref<32768x128xf32, #tpu.memory_space<hbm>>, %arg5: memref<8x128xi32, #tpu.memory_space<vmem>>, %arg6: memref<512x128xf32, #tpu.memory_space<vmem>>, %arg7: memref<!tpu.dma_semaphore, #tpu.memory_space<semaphore_mem>>) attributes {dimension_semantics = [#tpu.dimension_semantics<core_parallel>, #tpu.dimension_semantics<subcore_parallel>], iteration_bounds = array<i64: 2, 16>, scalar_prefetch = 0 : i64, scratch_operands = 3 : i64, tpu.core_type = #tpu.core_type<sc_vector_subcore>, window_params = [{transform_indices = #map}, {transform_indices = #map}, {transform_indices = #map}]} {
    %mul3A = arith.constant 2 : i32
    %mul3A_0 = arith.muli %arg1, %mul3A : i32
    %add3A = arith.addi %mul3A_0, %arg0 : i32
    %mul3A_1 = arith.constant 1024 : i32
    %mul3A_2 = arith.muli %add3A, %mul3A_1 : i32
    %mul3A_3 = arith.constant 8 : i32
    %mul3A_4 = arith.muli %add3A, %mul3A_3 : i32
    "tpu.region"() ({
      %run_scoped3A = tpu.sem_alloc : memref<!tpu.dma_semaphore, #tpu.memory_space<semaphore_mem>>
      %dma_start3A_167 = arith.constant 0 : i32
      %dma_start3A_168 = tpu.memref_slice %arg3[%mul3A_4, %dma_start3A_167] : memref<256x128xi32, #tpu.memory_space<hbm>> -> memref<8x128xi32, #tpu.memory_space<hbm>>
      %dma_start3A_169 = arith.constant 0 : i32
      %dma_start3A_170 = tpu.memref_slice %arg3[%mul3A_4, %dma_start3A_169] : memref<256x128xi32, #tpu.memory_space<hbm>> -> memref<8x128xi32, #tpu.memory_space<hbm>>
      tpu.enqueue_dma source(%dma_start3A_170 : memref<8x128xi32, #tpu.memory_space<hbm>>) target(%arg5 : memref<8x128xi32, #tpu.memory_space<vmem>>) target_semaphore(%run_scoped3A : memref<!tpu.dma_semaphore, #tpu.memory_space<semaphore_mem>>)
      %dma_wait3A_171 = arith.constant 0 : i32
      %dma_wait3A_172 = tpu.memref_slice %arg3[%mul3A_4, %dma_wait3A_171] : memref<256x128xi32, #tpu.memory_space<hbm>> -> memref<8x128xi32, #tpu.memory_space<hbm>>
      %dma_wait3A_173 = arith.constant 0 : i32
      %dma_wait3A_174 = tpu.memref_slice %arg3[%mul3A_4, %dma_wait3A_173] : memref<256x128xi32, #tpu.memory_space<hbm>> -> memref<8x128xi32, #tpu.memory_space<hbm>>
      tpu.wait_dma2 semaphore(%run_scoped3A : memref<!tpu.dma_semaphore, #tpu.memory_space<semaphore_mem>>) src(%dma_wait3A_174 : memref<8x128xi32, #tpu.memory_space<hbm>>) dst(%arg5 : memref<8x128xi32, #tpu.memory_space<vmem>>)
      tpu.yield
    }) : () -> ()
    %dma_start3A = arith.constant 0 : i32
    %dma_start3A_5 = arith.constant 0 : i32
    %dma_start3A_6 = arith.constant 0 : i32
    %dma_start3A_7 = tpu.memref_slice %arg6[%dma_start3A_5, %dma_start3A_6] : memref<512x128xf32, #tpu.memory_space<vmem>> -> memref<128x128xf32, #tpu.memory_space<vmem>>
    %dma_start3A_8 = arith.constant 0 : i32
    %dma_start3A_9 = tpu.memref_slice %arg5[%dma_start3A, %dma_start3A_8] : memref<8x128xi32, #tpu.memory_space<vmem>> -> memref<1x128xi32, #tpu.memory_space<vmem>>
    %dma_start3A_10 = tpu.memref_squeeze %dma_start3A_9 : memref<1x128xi32, #tpu.memory_space<vmem>> -> memref<128xi32, #tpu.memory_space<vmem>>
    %dma_start3A_11 = arith.constant 0 : i32
    %dma_start3A_12 = arith.constant 0 : i32
    %dma_start3A_13 = tpu.memref_slice %arg2[%dma_start3A_11, %dma_start3A_12] : memref<2048x128xf32, #tpu.memory_space<hbm>> -> memref<2048x128xf32, #tpu.memory_space<hbm>>
    tpu.enqueue_indirect_dma source(%dma_start3A_13 : memref<2048x128xf32, #tpu.memory_space<hbm>>) target(%dma_start3A_7 : memref<128x128xf32, #tpu.memory_space<vmem>>) offsets(%dma_start3A_10 : memref<128xi32, #tpu.memory_space<vmem>>) semaphore(%arg7 : memref<!tpu.dma_semaphore, #tpu.memory_space<semaphore_mem>>)
    %dma_start3A_14 = arith.constant 1 : i32
    %dma_start3A_15 = arith.constant 128 : i32
    %dma_start3A_16 = arith.constant 0 : i32
    %dma_start3A_17 = tpu.memref_slice %arg6[%dma_start3A_15, %dma_start3A_16] : memref<512x128xf32, #tpu.memory_space<vmem>> -> memref<128x128xf32, #tpu.memory_space<vmem>>
    %dma_start3A_18 = arith.constant 0 : i32
    %dma_start3A_19 = tpu.memref_slice %arg5[%dma_start3A_14, %dma_start3A_18] : memref<8x128xi32, #tpu.memory_space<vmem>> -> memref<1x128xi32, #tpu.memory_space<vmem>>
    %dma_start3A_20 = tpu.memref_squeeze %dma_start3A_19 : memref<1x128xi32, #tpu.memory_space<vmem>> -> memref<128xi32, #tpu.memory_space<vmem>>
    %dma_start3A_21 = arith.constant 0 : i32
    %dma_start3A_22 = arith.constant 0 : i32
    %dma_start3A_23 = tpu.memref_slice %arg2[%dma_start3A_21, %dma_start3A_22] : memref<2048x128xf32, #tpu.memory_space<hbm>> -> memref<2048x128xf32, #tpu.memory_space<hbm>>
    tpu.enqueue_indirect_dma source(%dma_start3A_23 : memref<2048x128xf32, #tpu.memory_space<hbm>>) target(%dma_start3A_17 : memref<128x128xf32, #tpu.memory_space<vmem>>) offsets(%dma_start3A_20 : memref<128xi32, #tpu.memory_space<vmem>>) semaphore(%arg7 : memref<!tpu.dma_semaphore, #tpu.memory_space<semaphore_mem>>)
    %dma_start3A_24 = arith.constant 2 : i32
    %dma_start3A_25 = arith.constant 256 : i32
    %dma_start3A_26 = arith.constant 0 : i32
    %dma_start3A_27 = tpu.memref_slice %arg6[%dma_start3A_25, %dma_start3A_26] : memref<512x128xf32, #tpu.memory_space<vmem>> -> memref<128x128xf32, #tpu.memory_space<vmem>>
    %dma_start3A_28 = arith.constant 0 : i32
    %dma_start3A_29 = tpu.memref_slice %arg5[%dma_start3A_24, %dma_start3A_28] : memref<8x128xi32, #tpu.memory_space<vmem>> -> memref<1x128xi32, #tpu.memory_space<vmem>>
    %dma_start3A_30 = tpu.memref_squeeze %dma_start3A_29 : memref<1x128xi32, #tpu.memory_space<vmem>> -> memref<128xi32, #tpu.memory_space<vmem>>
    %dma_start3A_31 = arith.constant 0 : i32
    %dma_start3A_32 = arith.constant 0 : i32
    %dma_start3A_33 = tpu.memref_slice %arg2[%dma_start3A_31, %dma_start3A_32] : memref<2048x128xf32, #tpu.memory_space<hbm>> -> memref<2048x128xf32, #tpu.memory_space<hbm>>
    tpu.enqueue_indirect_dma source(%dma_start3A_33 : memref<2048x128xf32, #tpu.memory_space<hbm>>) target(%dma_start3A_27 : memref<128x128xf32, #tpu.memory_space<vmem>>) offsets(%dma_start3A_30 : memref<128xi32, #tpu.memory_space<vmem>>) semaphore(%arg7 : memref<!tpu.dma_semaphore, #tpu.memory_space<semaphore_mem>>)
    %dma_start3A_34 = arith.constant 3 : i32
    %dma_start3A_35 = arith.constant 384 : i32
    %dma_start3A_36 = arith.constant 0 : i32
    %dma_start3A_37 = tpu.memref_slice %arg6[%dma_start3A_35, %dma_start3A_36] : memref<512x128xf32, #tpu.memory_space<vmem>> -> memref<128x128xf32, #tpu.memory_space<vmem>>
    %dma_start3A_38 = arith.constant 0 : i32
    %dma_start3A_39 = tpu.memref_slice %arg5[%dma_start3A_34, %dma_start3A_38] : memref<8x128xi32, #tpu.memory_space<vmem>> -> memref<1x128xi32, #tpu.memory_space<vmem>>
    %dma_start3A_40 = tpu.memref_squeeze %dma_start3A_39 : memref<1x128xi32, #tpu.memory_space<vmem>> -> memref<128xi32, #tpu.memory_space<vmem>>
    %dma_start3A_41 = arith.constant 0 : i32
    %dma_start3A_42 = arith.constant 0 : i32
    %dma_start3A_43 = tpu.memref_slice %arg2[%dma_start3A_41, %dma_start3A_42] : memref<2048x128xf32, #tpu.memory_space<hbm>> -> memref<2048x128xf32, #tpu.memory_space<hbm>>
    tpu.enqueue_indirect_dma source(%dma_start3A_43 : memref<2048x128xf32, #tpu.memory_space<hbm>>) target(%dma_start3A_37 : memref<128x128xf32, #tpu.memory_space<vmem>>) offsets(%dma_start3A_40 : memref<128xi32, #tpu.memory_space<vmem>>) semaphore(%arg7 : memref<!tpu.dma_semaphore, #tpu.memory_space<semaphore_mem>>)
    %dma_wait3A = arith.constant 0 : i32
    %dma_wait3A_44 = arith.constant 0 : i32
    %dma_wait3A_45 = arith.constant 0 : i32
    %dma_wait3A_46 = tpu.memref_slice %arg6[%dma_wait3A_44, %dma_wait3A_45] : memref<512x128xf32, #tpu.memory_space<vmem>> -> memref<128x128xf32, #tpu.memory_space<vmem>>
    %dma_wait3A_47 = arith.constant 0 : i32
    %dma_wait3A_48 = tpu.memref_slice %arg5[%dma_wait3A, %dma_wait3A_47] : memref<8x128xi32, #tpu.memory_space<vmem>> -> memref<1x128xi32, #tpu.memory_space<vmem>>
    %dma_wait3A_49 = tpu.memref_squeeze %dma_wait3A_48 : memref<1x128xi32, #tpu.memory_space<vmem>> -> memref<128xi32, #tpu.memory_space<vmem>>
    %dma_wait3A_50 = arith.constant 0 : i32
    %dma_wait3A_51 = arith.constant 0 : i32
    %dma_wait3A_52 = tpu.memref_slice %arg2[%dma_wait3A_50, %dma_wait3A_51] : memref<2048x128xf32, #tpu.memory_space<hbm>> -> memref<2048x128xf32, #tpu.memory_space<hbm>>
    tpu.wait_indirect_dma semaphore(%arg7 : memref<!tpu.dma_semaphore, #tpu.memory_space<semaphore_mem>>) src(%dma_wait3A_52 : memref<2048x128xf32, #tpu.memory_space<hbm>>) dst(%dma_wait3A_46 : memref<128x128xf32, #tpu.memory_space<vmem>>)
    %dma_wait3A_53 = arith.constant 1 : i32
    %dma_wait3A_54 = arith.constant 128 : i32
    %dma_wait3A_55 = arith.constant 0 : i32
    %dma_wait3A_56 = tpu.memref_slice %arg6[%dma_wait3A_54, %dma_wait3A_55] : memref<512x128xf32, #tpu.memory_space<vmem>> -> memref<128x128xf32, #tpu.memory_space<vmem>>
    %dma_wait3A_57 = arith.constant 0 : i32
    %dma_wait3A_58 = tpu.memref_slice %arg5[%dma_wait3A_53, %dma_wait3A_57] : memref<8x128xi32, #tpu.memory_space<vmem>> -> memref<1x128xi32, #tpu.memory_space<vmem>>
    %dma_wait3A_59 = tpu.memref_squeeze %dma_wait3A_58 : memref<1x128xi32, #tpu.memory_space<vmem>> -> memref<128xi32, #tpu.memory_space<vmem>>
    %dma_wait3A_60 = arith.constant 0 : i32
    %dma_wait3A_61 = arith.constant 0 : i32
    %dma_wait3A_62 = tpu.memref_slice %arg2[%dma_wait3A_60, %dma_wait3A_61] : memref<2048x128xf32, #tpu.memory_space<hbm>> -> memref<2048x128xf32, #tpu.memory_space<hbm>>
    tpu.wait_indirect_dma semaphore(%arg7 : memref<!tpu.dma_semaphore, #tpu.memory_space<semaphore_mem>>) src(%dma_wait3A_62 : memref<2048x128xf32, #tpu.memory_space<hbm>>) dst(%dma_wait3A_56 : memref<128x128xf32, #tpu.memory_space<vmem>>)
    %dma_wait3A_63 = arith.constant 2 : i32
    %dma_wait3A_64 = arith.constant 256 : i32
    %dma_wait3A_65 = arith.constant 0 : i32
    %dma_wait3A_66 = tpu.memref_slice %arg6[%dma_wait3A_64, %dma_wait3A_65] : memref<512x128xf32, #tpu.memory_space<vmem>> -> memref<128x128xf32, #tpu.memory_space<vmem>>
    %dma_wait3A_67 = arith.constant 0 : i32
    %dma_wait3A_68 = tpu.memref_slice %arg5[%dma_wait3A_63, %dma_wait3A_67] : memref<8x128xi32, #tpu.memory_space<vmem>> -> memref<1x128xi32, #tpu.memory_space<vmem>>
    %dma_wait3A_69 = tpu.memref_squeeze %dma_wait3A_68 : memref<1x128xi32, #tpu.memory_space<vmem>> -> memref<128xi32, #tpu.memory_space<vmem>>
    %dma_wait3A_70 = arith.constant 0 : i32
    %dma_wait3A_71 = arith.constant 0 : i32
    %dma_wait3A_72 = tpu.memref_slice %arg2[%dma_wait3A_70, %dma_wait3A_71] : memref<2048x128xf32, #tpu.memory_space<hbm>> -> memref<2048x128xf32, #tpu.memory_space<hbm>>
    tpu.wait_indirect_dma semaphore(%arg7 : memref<!tpu.dma_semaphore, #tpu.memory_space<semaphore_mem>>) src(%dma_wait3A_72 : memref<2048x128xf32, #tpu.memory_space<hbm>>) dst(%dma_wait3A_66 : memref<128x128xf32, #tpu.memory_space<vmem>>)
    %dma_wait3A_73 = arith.constant 3 : i32
    %dma_wait3A_74 = arith.constant 384 : i32
    %dma_wait3A_75 = arith.constant 0 : i32
    %dma_wait3A_76 = tpu.memref_slice %arg6[%dma_wait3A_74, %dma_wait3A_75] : memref<512x128xf32, #tpu.memory_space<vmem>> -> memref<128x128xf32, #tpu.memory_space<vmem>>
    %dma_wait3A_77 = arith.constant 0 : i32
    %dma_wait3A_78 = tpu.memref_slice %arg5[%dma_wait3A_73, %dma_wait3A_77] : memref<8x128xi32, #tpu.memory_space<vmem>> -> memref<1x128xi32, #tpu.memory_space<vmem>>
    %dma_wait3A_79 = tpu.memref_squeeze %dma_wait3A_78 : memref<1x128xi32, #tpu.memory_space<vmem>> -> memref<128xi32, #tpu.memory_space<vmem>>
    %dma_wait3A_80 = arith.constant 0 : i32
    %dma_wait3A_81 = arith.constant 0 : i32
    %dma_wait3A_82 = tpu.memref_slice %arg2[%dma_wait3A_80, %dma_wait3A_81] : memref<2048x128xf32, #tpu.memory_space<hbm>> -> memref<2048x128xf32, #tpu.memory_space<hbm>>
    tpu.wait_indirect_dma semaphore(%arg7 : memref<!tpu.dma_semaphore, #tpu.memory_space<semaphore_mem>>) src(%dma_wait3A_82 : memref<2048x128xf32, #tpu.memory_space<hbm>>) dst(%dma_wait3A_76 : memref<128x128xf32, #tpu.memory_space<vmem>>)
    %add3A_83 = arith.constant 0 : i32
    %add3A_84 = arith.addi %mul3A_2, %add3A_83 : i32
    "tpu.region"() ({
      %run_scoped3A = tpu.sem_alloc : memref<!tpu.dma_semaphore, #tpu.memory_space<semaphore_mem>>
      %dma_start3A_167 = arith.constant 0 : i32
      %dma_start3A_168 = tpu.memref_slice %arg4[%add3A_84, %dma_start3A_167] : memref<32768x128xf32, #tpu.memory_space<hbm>> -> memref<512x128xf32, #tpu.memory_space<hbm>>
      %dma_start3A_169 = arith.constant 0 : i32
      %dma_start3A_170 = tpu.memref_slice %arg4[%add3A_84, %dma_start3A_169] : memref<32768x128xf32, #tpu.memory_space<hbm>> -> memref<512x128xf32, #tpu.memory_space<hbm>>
      tpu.enqueue_dma source(%arg6 : memref<512x128xf32, #tpu.memory_space<vmem>>) target(%dma_start3A_170 : memref<512x128xf32, #tpu.memory_space<hbm>>) target_semaphore(%run_scoped3A : memref<!tpu.dma_semaphore, #tpu.memory_space<semaphore_mem>>)
      %dma_wait3A_171 = arith.constant 0 : i32
      %dma_wait3A_172 = tpu.memref_slice %arg4[%add3A_84, %dma_wait3A_171] : memref<32768x128xf32, #tpu.memory_space<hbm>> -> memref<512x128xf32, #tpu.memory_space<hbm>>
      %dma_wait3A_173 = arith.constant 0 : i32
      %dma_wait3A_174 = tpu.memref_slice %arg4[%add3A_84, %dma_wait3A_173] : memref<32768x128xf32, #tpu.memory_space<hbm>> -> memref<512x128xf32, #tpu.memory_space<hbm>>
      tpu.wait_dma2 semaphore(%run_scoped3A : memref<!tpu.dma_semaphore, #tpu.memory_space<semaphore_mem>>) src(%arg6 : memref<512x128xf32, #tpu.memory_space<vmem>>) dst(%dma_wait3A_174 : memref<512x128xf32, #tpu.memory_space<hbm>>)
      tpu.yield
    }) : () -> ()
    %dma_start3A_85 = arith.constant 4 : i32
    %dma_start3A_86 = arith.constant 0 : i32
    %dma_start3A_87 = arith.constant 0 : i32
    %dma_start3A_88 = tpu.memref_slice %arg6[%dma_start3A_86, %dma_start3A_87] : memref<512x128xf32, #tpu.memory_space<vmem>> -> memref<128x128xf32, #tpu.memory_space<vmem>>
    %dma_start3A_89 = arith.constant 0 : i32
    %dma_start3A_90 = tpu.memref_slice %arg5[%dma_start3A_85, %dma_start3A_89] : memref<8x128xi32, #tpu.memory_space<vmem>> -> memref<1x128xi32, #tpu.memory_space<vmem>>
    %dma_start3A_91 = tpu.memref_squeeze %dma_start3A_90 : memref<1x128xi32, #tpu.memory_space<vmem>> -> memref<128xi32, #tpu.memory_space<vmem>>
    %dma_start3A_92 = arith.constant 0 : i32
    %dma_start3A_93 = arith.constant 0 : i32
    %dma_start3A_94 = tpu.memref_slice %arg2[%dma_start3A_92, %dma_start3A_93] : memref<2048x128xf32, #tpu.memory_space<hbm>> -> memref<2048x128xf32, #tpu.memory_space<hbm>>
    tpu.enqueue_indirect_dma source(%dma_start3A_94 : memref<2048x128xf32, #tpu.memory_space<hbm>>) target(%dma_start3A_88 : memref<128x128xf32, #tpu.memory_space<vmem>>) offsets(%dma_start3A_91 : memref<128xi32, #tpu.memory_space<vmem>>) semaphore(%arg7 : memref<!tpu.dma_semaphore, #tpu.memory_space<semaphore_mem>>)
    %dma_start3A_95 = arith.constant 5 : i32
    %dma_start3A_96 = arith.constant 128 : i32
    %dma_start3A_97 = arith.constant 0 : i32
    %dma_start3A_98 = tpu.memref_slice %arg6[%dma_start3A_96, %dma_start3A_97] : memref<512x128xf32, #tpu.memory_space<vmem>> -> memref<128x128xf32, #tpu.memory_space<vmem>>
    %dma_start3A_99 = arith.constant 0 : i32
    %dma_start3A_100 = tpu.memref_slice %arg5[%dma_start3A_95, %dma_start3A_99] : memref<8x128xi32, #tpu.memory_space<vmem>> -> memref<1x128xi32, #tpu.memory_space<vmem>>
    %dma_start3A_101 = tpu.memref_squeeze %dma_start3A_100 : memref<1x128xi32, #tpu.memory_space<vmem>> -> memref<128xi32, #tpu.memory_space<vmem>>
    %dma_start3A_102 = arith.constant 0 : i32
    %dma_start3A_103 = arith.constant 0 : i32
    %dma_start3A_104 = tpu.memref_slice %arg2[%dma_start3A_102, %dma_start3A_103] : memref<2048x128xf32, #tpu.memory_space<hbm>> -> memref<2048x128xf32, #tpu.memory_space<hbm>>
    tpu.enqueue_indirect_dma source(%dma_start3A_104 : memref<2048x128xf32, #tpu.memory_space<hbm>>) target(%dma_start3A_98 : memref<128x128xf32, #tpu.memory_space<vmem>>) offsets(%dma_start3A_101 : memref<128xi32, #tpu.memory_space<vmem>>) semaphore(%arg7 : memref<!tpu.dma_semaphore, #tpu.memory_space<semaphore_mem>>)
    %dma_start3A_105 = arith.constant 6 : i32
    %dma_start3A_106 = arith.constant 256 : i32
    %dma_start3A_107 = arith.constant 0 : i32
    %dma_start3A_108 = tpu.memref_slice %arg6[%dma_start3A_106, %dma_start3A_107] : memref<512x128xf32, #tpu.memory_space<vmem>> -> memref<128x128xf32, #tpu.memory_space<vmem>>
    %dma_start3A_109 = arith.constant 0 : i32
    %dma_start3A_110 = tpu.memref_slice %arg5[%dma_start3A_105, %dma_start3A_109] : memref<8x128xi32, #tpu.memory_space<vmem>> -> memref<1x128xi32, #tpu.memory_space<vmem>>
    %dma_start3A_111 = tpu.memref_squeeze %dma_start3A_110 : memref<1x128xi32, #tpu.memory_space<vmem>> -> memref<128xi32, #tpu.memory_space<vmem>>
    %dma_start3A_112 = arith.constant 0 : i32
    %dma_start3A_113 = arith.constant 0 : i32
    %dma_start3A_114 = tpu.memref_slice %arg2[%dma_start3A_112, %dma_start3A_113] : memref<2048x128xf32, #tpu.memory_space<hbm>> -> memref<2048x128xf32, #tpu.memory_space<hbm>>
    tpu.enqueue_indirect_dma source(%dma_start3A_114 : memref<2048x128xf32, #tpu.memory_space<hbm>>) target(%dma_start3A_108 : memref<128x128xf32, #tpu.memory_space<vmem>>) offsets(%dma_start3A_111 : memref<128xi32, #tpu.memory_space<vmem>>) semaphore(%arg7 : memref<!tpu.dma_semaphore, #tpu.memory_space<semaphore_mem>>)
    %dma_start3A_115 = arith.constant 7 : i32
    %dma_start3A_116 = arith.constant 384 : i32
    %dma_start3A_117 = arith.constant 0 : i32
    %dma_start3A_118 = tpu.memref_slice %arg6[%dma_start3A_116, %dma_start3A_117] : memref<512x128xf32, #tpu.memory_space<vmem>> -> memref<128x128xf32, #tpu.memory_space<vmem>>
    %dma_start3A_119 = arith.constant 0 : i32
    %dma_start3A_120 = tpu.memref_slice %arg5[%dma_start3A_115, %dma_start3A_119] : memref<8x128xi32, #tpu.memory_space<vmem>> -> memref<1x128xi32, #tpu.memory_space<vmem>>
    %dma_start3A_121 = tpu.memref_squeeze %dma_start3A_120 : memref<1x128xi32, #tpu.memory_space<vmem>> -> memref<128xi32, #tpu.memory_space<vmem>>
    %dma_start3A_122 = arith.constant 0 : i32
    %dma_start3A_123 = arith.constant 0 : i32
    %dma_start3A_124 = tpu.memref_slice %arg2[%dma_start3A_122, %dma_start3A_123] : memref<2048x128xf32, #tpu.memory_space<hbm>> -> memref<2048x128xf32, #tpu.memory_space<hbm>>
    tpu.enqueue_indirect_dma source(%dma_start3A_124 : memref<2048x128xf32, #tpu.memory_space<hbm>>) target(%dma_start3A_118 : memref<128x128xf32, #tpu.memory_space<vmem>>) offsets(%dma_start3A_121 : memref<128xi32, #tpu.memory_space<vmem>>) semaphore(%arg7 : memref<!tpu.dma_semaphore, #tpu.memory_space<semaphore_mem>>)
    %dma_wait3A_125 = arith.constant 4 : i32
    %dma_wait3A_126 = arith.constant 0 : i32
    %dma_wait3A_127 = arith.constant 0 : i32
    %dma_wait3A_128 = tpu.memref_slice %arg6[%dma_wait3A_126, %dma_wait3A_127] : memref<512x128xf32, #tpu.memory_space<vmem>> -> memref<128x128xf32, #tpu.memory_space<vmem>>
    %dma_wait3A_129 = arith.constant 0 : i32
    %dma_wait3A_130 = tpu.memref_slice %arg5[%dma_wait3A_125, %dma_wait3A_129] : memref<8x128xi32, #tpu.memory_space<vmem>> -> memref<1x128xi32, #tpu.memory_space<vmem>>
    %dma_wait3A_131 = tpu.memref_squeeze %dma_wait3A_130 : memref<1x128xi32, #tpu.memory_space<vmem>> -> memref<128xi32, #tpu.memory_space<vmem>>
    %dma_wait3A_132 = arith.constant 0 : i32
    %dma_wait3A_133 = arith.constant 0 : i32
    %dma_wait3A_134 = tpu.memref_slice %arg2[%dma_wait3A_132, %dma_wait3A_133] : memref<2048x128xf32, #tpu.memory_space<hbm>> -> memref<2048x128xf32, #tpu.memory_space<hbm>>
    tpu.wait_indirect_dma semaphore(%arg7 : memref<!tpu.dma_semaphore, #tpu.memory_space<semaphore_mem>>) src(%dma_wait3A_134 : memref<2048x128xf32, #tpu.memory_space<hbm>>) dst(%dma_wait3A_128 : memref<128x128xf32, #tpu.memory_space<vmem>>)
    %dma_wait3A_135 = arith.constant 5 : i32
    %dma_wait3A_136 = arith.constant 128 : i32
    %dma_wait3A_137 = arith.constant 0 : i32
    %dma_wait3A_138 = tpu.memref_slice %arg6[%dma_wait3A_136, %dma_wait3A_137] : memref<512x128xf32, #tpu.memory_space<vmem>> -> memref<128x128xf32, #tpu.memory_space<vmem>>
    %dma_wait3A_139 = arith.constant 0 : i32
    %dma_wait3A_140 = tpu.memref_slice %arg5[%dma_wait3A_135, %dma_wait3A_139] : memref<8x128xi32, #tpu.memory_space<vmem>> -> memref<1x128xi32, #tpu.memory_space<vmem>>
    %dma_wait3A_141 = tpu.memref_squeeze %dma_wait3A_140 : memref<1x128xi32, #tpu.memory_space<vmem>> -> memref<128xi32, #tpu.memory_space<vmem>>
    %dma_wait3A_142 = arith.constant 0 : i32
    %dma_wait3A_143 = arith.constant 0 : i32
    %dma_wait3A_144 = tpu.memref_slice %arg2[%dma_wait3A_142, %dma_wait3A_143] : memref<2048x128xf32, #tpu.memory_space<hbm>> -> memref<2048x128xf32, #tpu.memory_space<hbm>>
    tpu.wait_indirect_dma semaphore(%arg7 : memref<!tpu.dma_semaphore, #tpu.memory_space<semaphore_mem>>) src(%dma_wait3A_144 : memref<2048x128xf32, #tpu.memory_space<hbm>>) dst(%dma_wait3A_138 : memref<128x128xf32, #tpu.memory_space<vmem>>)
    %dma_wait3A_145 = arith.constant 6 : i32
    %dma_wait3A_146 = arith.constant 256 : i32
    %dma_wait3A_147 = arith.constant 0 : i32
    %dma_wait3A_148 = tpu.memref_slice %arg6[%dma_wait3A_146, %dma_wait3A_147] : memref<512x128xf32, #tpu.memory_space<vmem>> -> memref<128x128xf32, #tpu.memory_space<vmem>>
    %dma_wait3A_149 = arith.constant 0 : i32
    %dma_wait3A_150 = tpu.memref_slice %arg5[%dma_wait3A_145, %dma_wait3A_149] : memref<8x128xi32, #tpu.memory_space<vmem>> -> memref<1x128xi32, #tpu.memory_space<vmem>>
    %dma_wait3A_151 = tpu.memref_squeeze %dma_wait3A_150 : memref<1x128xi32, #tpu.memory_space<vmem>> -> memref<128xi32, #tpu.memory_space<vmem>>
    %dma_wait3A_152 = arith.constant 0 : i32
    %dma_wait3A_153 = arith.constant 0 : i32
    %dma_wait3A_154 = tpu.memref_slice %arg2[%dma_wait3A_152, %dma_wait3A_153] : memref<2048x128xf32, #tpu.memory_space<hbm>> -> memref<2048x128xf32, #tpu.memory_space<hbm>>
    tpu.wait_indirect_dma semaphore(%arg7 : memref<!tpu.dma_semaphore, #tpu.memory_space<semaphore_mem>>) src(%dma_wait3A_154 : memref<2048x128xf32, #tpu.memory_space<hbm>>) dst(%dma_wait3A_148 : memref<128x128xf32, #tpu.memory_space<vmem>>)
    %dma_wait3A_155 = arith.constant 7 : i32
    %dma_wait3A_156 = arith.constant 384 : i32
    %dma_wait3A_157 = arith.constant 0 : i32
    %dma_wait3A_158 = tpu.memref_slice %arg6[%dma_wait3A_156, %dma_wait3A_157] : memref<512x128xf32, #tpu.memory_space<vmem>> -> memref<128x128xf32, #tpu.memory_space<vmem>>
    %dma_wait3A_159 = arith.constant 0 : i32
    %dma_wait3A_160 = tpu.memref_slice %arg5[%dma_wait3A_155, %dma_wait3A_159] : memref<8x128xi32, #tpu.memory_space<vmem>> -> memref<1x128xi32, #tpu.memory_space<vmem>>
    %dma_wait3A_161 = tpu.memref_squeeze %dma_wait3A_160 : memref<1x128xi32, #tpu.memory_space<vmem>> -> memref<128xi32, #tpu.memory_space<vmem>>
    %dma_wait3A_162 = arith.constant 0 : i32
    %dma_wait3A_163 = arith.constant 0 : i32
    %dma_wait3A_164 = tpu.memref_slice %arg2[%dma_wait3A_162, %dma_wait3A_163] : memref<2048x128xf32, #tpu.memory_space<hbm>> -> memref<2048x128xf32, #tpu.memory_space<hbm>>
    tpu.wait_indirect_dma semaphore(%arg7 : memref<!tpu.dma_semaphore, #tpu.memory_space<semaphore_mem>>) src(%dma_wait3A_164 : memref<2048x128xf32, #tpu.memory_space<hbm>>) dst(%dma_wait3A_158 : memref<128x128xf32, #tpu.memory_space<vmem>>)
    %add3A_165 = arith.constant 512 : i32
    %add3A_166 = arith.addi %mul3A_2, %add3A_165 : i32
    "tpu.region"() ({
      %run_scoped3A = tpu.sem_alloc : memref<!tpu.dma_semaphore, #tpu.memory_space<semaphore_mem>>
      %dma_start3A_167 = arith.constant 0 : i32
      %dma_start3A_168 = tpu.memref_slice %arg4[%add3A_166, %dma_start3A_167] : memref<32768x128xf32, #tpu.memory_space<hbm>> -> memref<512x128xf32, #tpu.memory_space<hbm>>
      %dma_start3A_169 = arith.constant 0 : i32
      %dma_start3A_170 = tpu.memref_slice %arg4[%add3A_166, %dma_start3A_169] : memref<32768x128xf32, #tpu.memory_space<hbm>> -> memref<512x128xf32, #tpu.memory_space<hbm>>
      tpu.enqueue_dma source(%arg6 : memref<512x128xf32, #tpu.memory_space<vmem>>) target(%dma_start3A_170 : memref<512x128xf32, #tpu.memory_space<hbm>>) target_semaphore(%run_scoped3A : memref<!tpu.dma_semaphore, #tpu.memory_space<semaphore_mem>>)
      %dma_wait3A_171 = arith.constant 0 : i32
      %dma_wait3A_172 = tpu.memref_slice %arg4[%add3A_166, %dma_wait3A_171] : memref<32768x128xf32, #tpu.memory_space<hbm>> -> memref<512x128xf32, #tpu.memory_space<hbm>>
      %dma_wait3A_173 = arith.constant 0 : i32
      %dma_wait3A_174 = tpu.memref_slice %arg4[%add3A_166, %dma_wait3A_173] : memref<32768x128xf32, #tpu.memory_space<hbm>> -> memref<512x128xf32, #tpu.memory_space<hbm>>
      tpu.wait_dma2 semaphore(%run_scoped3A : memref<!tpu.dma_semaphore, #tpu.memory_space<semaphore_mem>>) src(%arg6 : memref<512x128xf32, #tpu.memory_space<vmem>>) dst(%dma_wait3A_174 : memref<512x128xf32, #tpu.memory_space<hbm>>)
      tpu.yield
    }) : () -> ()
    return
  }
}

module attributes {stable_mosaic.version = 14 : i64} {
  func.func @_edge_body(%arg0: i32, %arg1: memref<128x128xf32, #tpu.memory_space<vmem>>, %arg2: memref<2048x128xf32, #tpu.memory_space<vmem>>, %arg3: memref<72x1152xbf16, #tpu.memory_space<vmem>>, %arg4: memref<384x640xbf16, #tpu.memory_space<vmem>>, %arg5: memref<128x16x576xf32, #tpu.memory_space<vmem>>) attributes {dimension_semantics = [#tpu.dimension_semantics<arbitrary>], iteration_bounds = array<i64: 16>, scalar_prefetch = 0 : i64, scratch_operands = 0 : i64, tpu.core_type = #tpu.core_type<tc>, window_params = [{transform_indices = @transform_0, window_bounds = array<i64: 128, 128>}, {transform_indices = @transform_1, window_bounds = array<i64: 2048, 128>}, {pipeline_mode = #tpu.pipeline_mode<synchronous>, transform_indices = @transform_2, window_bounds = array<i64: 72, 1152>}, {pipeline_mode = #tpu.pipeline_mode<synchronous>, transform_indices = @transform_3, window_bounds = array<i64: 384, 640>}, {transform_indices = @transform_4, window_bounds = array<i64: 128, 16, 576>}]} {
    %get3A = arith.constant 0 : index
    %get3A_0 = arith.constant 0 : index
    %get3A_1 = vector.load %arg1[%get3A, %get3A_0] : memref<128x128xf32, #tpu.memory_space<vmem>>, vector<128x128xf32>
    %get3A_2 = arith.constant 0 : index
    %get3A_3 = arith.constant 0 : index
    %get3A_4 = vector.load %arg2[%get3A_2, %get3A_3] : memref<2048x128xf32, #tpu.memory_space<vmem>>, vector<2048x128xf32>
    %broadcast_in_dim3A = vector.shape_cast %get3A_1 : vector<128x128xf32> to vector<128x1x128xf32>
    %broadcast_in_dim3A_5 = vector.shape_cast %broadcast_in_dim3A : vector<128x1x128xf32> to vector<128x1x128xf32>
    %broadcast_in_dim3A_6 = vector.broadcast %broadcast_in_dim3A_5 : vector<128x1x128xf32> to vector<128x16x128xf32>
    %reshape3A = vector.shape_cast %broadcast_in_dim3A_6 : vector<128x16x128xf32> to vector<2048x128xf32>
    %slice3A = vector.extract_strided_slice %reshape3A {offsets = [0, 36], sizes = [2048, 1], strides = [1, 1]} : vector<2048x128xf32> to vector<2048x1xf32>
    %slice3A_7 = vector.extract_strided_slice %get3A_4 {offsets = [0, 36], sizes = [2048, 1], strides = [1, 1]} : vector<2048x128xf32> to vector<2048x1xf32>
    %mul3A = arith.mulf %slice3A, %slice3A_7 : vector<2048x1xf32>
    %slice3A_8 = vector.extract_strided_slice %reshape3A {offsets = [0, 0], sizes = [2048, 12], strides = [1, 1]} : vector<2048x128xf32> to vector<2048x12xf32>
    %slice3A_9 = vector.extract_strided_slice %get3A_4 {offsets = [0, 0], sizes = [2048, 12], strides = [1, 1]} : vector<2048x128xf32> to vector<2048x12xf32>
    %concatenate3A = tpu.concatenate %slice3A_8, %slice3A_9 in 1 : vector<2048x12xf32>, vector<2048x12xf32> -> vector<2048x24xf32>
    %slice3A_10 = vector.extract_strided_slice %reshape3A {offsets = [0, 12], sizes = [2048, 12], strides = [1, 1]} : vector<2048x128xf32> to vector<2048x12xf32>
    %slice3A_11 = vector.extract_strided_slice %get3A_4 {offsets = [0, 12], sizes = [2048, 12], strides = [1, 1]} : vector<2048x128xf32> to vector<2048x12xf32>
    %concatenate3A_12 = tpu.concatenate %slice3A_10, %slice3A_11 in 1 : vector<2048x12xf32>, vector<2048x12xf32> -> vector<2048x24xf32>
    %slice3A_13 = vector.extract_strided_slice %reshape3A {offsets = [0, 24], sizes = [2048, 12], strides = [1, 1]} : vector<2048x128xf32> to vector<2048x12xf32>
    %slice3A_14 = vector.extract_strided_slice %get3A_4 {offsets = [0, 24], sizes = [2048, 12], strides = [1, 1]} : vector<2048x128xf32> to vector<2048x12xf32>
    %concatenate3A_15 = tpu.concatenate %slice3A_13, %slice3A_14 in 1 : vector<2048x12xf32>, vector<2048x12xf32> -> vector<2048x24xf32>
    %concatenate3A_16 = tpu.concatenate %concatenate3A, %concatenate3A_12, %concatenate3A_15 in 1 : vector<2048x24xf32>, vector<2048x24xf32>, vector<2048x24xf32> -> vector<2048x72xf32>
    %get3A_17 = arith.constant 0 : index
    %get3A_18 = arith.constant 0 : index
    %get3A_19 = vector.load %arg3[%get3A_17, %get3A_18] : memref<72x1152xbf16, #tpu.memory_space<vmem>>, vector<72x1152xbf16>
    %convert_element_type3A = arith.truncf %concatenate3A_16 : vector<2048x72xf32> to vector<2048x72xbf16>
    %convert_element_type3A_20 = arith.extf %convert_element_type3A : vector<2048x72xbf16> to vector<2048x72xf32>
    %sub3A = arith.subf %concatenate3A_16, %convert_element_type3A_20 : vector<2048x72xf32>
    %convert_element_type3A_21 = arith.truncf %sub3A : vector<2048x72xf32> to vector<2048x72xbf16>
    %convert_element_type3A_22 = arith.extf %convert_element_type3A_21 : vector<2048x72xbf16> to vector<2048x72xf32>
    %sub3A_23 = arith.subf %sub3A, %convert_element_type3A_22 : vector<2048x72xf32>
    %convert_element_type3A_24 = arith.truncf %sub3A_23 : vector<2048x72xf32> to vector<2048x72xbf16>
    %dot_general3A = arith.constant dense<0.000000e+00> : vector<2048x1152xf32>
    %dot_general3A_25 = tpu.matmul %convert_element_type3A, %get3A_19, %dot_general3A {dimension_numbers = #tpu.dot_dimension_numbers<[1], [0], [0], [1], [0, 0, 1, 1], [], []>, transpose_lhs_hint = false} : vector<2048x72xbf16>, vector<72x1152xbf16>, vector<2048x1152xf32> -> vector<2048x1152xf32>
    %dot_general3A_26 = arith.constant dense<0.000000e+00> : vector<2048x1152xf32>
    %dot_general3A_27 = tpu.matmul %convert_element_type3A_21, %get3A_19, %dot_general3A_26 {dimension_numbers = #tpu.dot_dimension_numbers<[1], [0], [0], [1], [0, 0, 1, 1], [], []>, transpose_lhs_hint = false} : vector<2048x72xbf16>, vector<72x1152xbf16>, vector<2048x1152xf32> -> vector<2048x1152xf32>
    %add3A = arith.addf %dot_general3A_25, %dot_general3A_27 : vector<2048x1152xf32>
    %dot_general3A_28 = arith.constant dense<0.000000e+00> : vector<2048x1152xf32>
    %dot_general3A_29 = tpu.matmul %convert_element_type3A_24, %get3A_19, %dot_general3A_28 {dimension_numbers = #tpu.dot_dimension_numbers<[1], [0], [0], [1], [0, 0, 1, 1], [], []>, transpose_lhs_hint = false} : vector<2048x72xbf16>, vector<72x1152xbf16>, vector<2048x1152xf32> -> vector<2048x1152xf32>
    %add3A_30 = arith.addf %add3A, %dot_general3A_29 : vector<2048x1152xf32>
    %mul3A_31 = arith.mulf %add3A_30, %add3A_30 : vector<2048x1152xf32>
    %slice3A_32 = vector.extract_strided_slice %mul3A_31 {offsets = [0, 0], sizes = [2048, 384], strides = [1, 1]} : vector<2048x1152xf32> to vector<2048x384xf32>
    %slice3A_33 = vector.extract_strided_slice %mul3A_31 {offsets = [0, 384], sizes = [2048, 384], strides = [1, 1]} : vector<2048x1152xf32> to vector<2048x384xf32>
    %add3A_34 = arith.addf %slice3A_32, %slice3A_33 : vector<2048x384xf32>
    %slice3A_35 = vector.extract_strided_slice %mul3A_31 {offsets = [0, 768], sizes = [2048, 384], strides = [1, 1]} : vector<2048x1152xf32> to vector<2048x384xf32>
    %add3A_36 = arith.addf %add3A_34, %slice3A_35 : vector<2048x384xf32>
    %add3A_37 = arith.constant 1.000000e-03 : f32
    %add3A_38 = vector.broadcast %add3A_37 : f32 to vector<2048x384xf32>
    %add3A_39 = arith.addf %add3A_36, %add3A_38 : vector<2048x384xf32>
    %sqrt3A = math.sqrt %add3A_39 : vector<2048x384xf32>
    %add3A_40 = arith.constant 0.00999999977 : f32
    %add3A_41 = vector.broadcast %add3A_40 : f32 to vector<2048x384xf32>
    %add3A_42 = arith.addf %sqrt3A, %add3A_41 : vector<2048x384xf32>
    %log3A = math.log %add3A_42 : vector<2048x384xf32>
    %mul3A_43 = vector.broadcast %mul3A : vector<2048x1xf32> to vector<2048x384xf32>
    %mul3A_44 = arith.mulf %log3A, %mul3A_43 : vector<2048x384xf32>
    %convert_element_type3A_45 = arith.truncf %mul3A_44 : vector<2048x384xf32> to vector<2048x384xbf16>
    %convert_element_type3A_46 = arith.extf %convert_element_type3A_45 : vector<2048x384xbf16> to vector<2048x384xf32>
    %sub3A_47 = arith.subf %mul3A_44, %convert_element_type3A_46 : vector<2048x384xf32>
    %convert_element_type3A_48 = arith.truncf %sub3A_47 : vector<2048x384xf32> to vector<2048x384xbf16>
    %get3A_49 = arith.constant 0 : index
    %get3A_50 = arith.constant 0 : index
    %get3A_51 = vector.load %arg4[%get3A_49, %get3A_50] : memref<384x640xbf16, #tpu.memory_space<vmem>>, vector<384x640xbf16>
    %dot_general3A_52 = arith.constant dense<0.000000e+00> : vector<2048x640xf32>
    %dot_general3A_53 = tpu.matmul %convert_element_type3A_45, %get3A_51, %dot_general3A_52 {dimension_numbers = #tpu.dot_dimension_numbers<[1], [0], [0], [1], [0, 0, 1, 1], [], []>, transpose_lhs_hint = false} : vector<2048x384xbf16>, vector<384x640xbf16>, vector<2048x640xf32> -> vector<2048x640xf32>
    %dot_general3A_54 = arith.constant dense<0.000000e+00> : vector<2048x640xf32>
    %dot_general3A_55 = tpu.matmul %convert_element_type3A_48, %get3A_51, %dot_general3A_54 {dimension_numbers = #tpu.dot_dimension_numbers<[1], [0], [0], [1], [0, 0, 1, 1], [], []>, transpose_lhs_hint = false} : vector<2048x384xbf16>, vector<384x640xbf16>, vector<2048x640xf32> -> vector<2048x640xf32>
    %add3A_56 = arith.addf %dot_general3A_53, %dot_general3A_55 : vector<2048x640xf32>
    %slice3A_57 = vector.extract_strided_slice %add3A_56 {offsets = [0, 0], sizes = [2048, 576], strides = [1, 1]} : vector<2048x640xf32> to vector<2048x576xf32>
    %reshape3A_58 = vector.shape_cast %slice3A_57 : vector<2048x576xf32> to vector<128x16x576xf32>
    %swap3A = arith.constant 0 : index
    %swap3A_59 = arith.constant 0 : index
    %swap3A_60 = arith.constant 0 : index
    %swap3A_61 = vector.load %arg5[%swap3A, %swap3A_59, %swap3A_60] : memref<128x16x576xf32, #tpu.memory_space<vmem>>, vector<128x16x576xf32>
    tpu.vector_store %arg5[%swap3A, %swap3A_59, %swap3A_60], %reshape3A_58 {strides = array<i32>} : memref<128x16x576xf32, #tpu.memory_space<vmem>>, vector<128x16x576xf32>,
    return
  }
  func.func @transform_0(%arg0: i32) -> (i32, i32) {
    %c0_i32 = arith.constant 0 : i32
    %c0_i32_0 = arith.constant 0 : i32
    return %arg0, %c0_i32 : i32, i32
  }
  func.func @transform_1(%arg0: i32) -> (i32, i32) {
    %c0_i32 = arith.constant 0 : i32
    %c0_i32_0 = arith.constant 0 : i32
    return %arg0, %c0_i32 : i32, i32
  }
  func.func @transform_2(%arg0: i32) -> (i32, i32) {
    %c0_i32 = arith.constant 0 : i32
    %c0_i32_0 = arith.constant 0 : i32
    %c0_i32_1 = arith.constant 0 : i32
    return %c0_i32, %c0_i32_0 : i32, i32
  }
  func.func @transform_3(%arg0: i32) -> (i32, i32) {
    %c0_i32 = arith.constant 0 : i32
    %c0_i32_0 = arith.constant 0 : i32
    %c0_i32_1 = arith.constant 0 : i32
    return %c0_i32, %c0_i32_0 : i32, i32
  }
  func.func @transform_4(%arg0: i32) -> (i32, i32, i32) {
    %c0_i32 = arith.constant 0 : i32
    %c0_i32_0 = arith.constant 0 : i32
    %c0_i32_1 = arith.constant 0 : i32
    return %arg0, %c0_i32, %c0_i32_0 : i32, i32, i32
  }
}

module attributes {stable_mosaic.version = 14 : i64} {
  func.func @_table_body(%arg0: memref<3x2048x4xf32, #tpu.memory_space<vmem>>, %arg1: memref<2048x1xi32, #tpu.memory_space<vmem>>, %arg2: memref<2048x128xf32, #tpu.memory_space<vmem>>) attributes {dimension_semantics = [], scalar_prefetch = 0 : i64, scratch_operands = 0 : i64, tpu.core_type = #tpu.core_type<tc>} {
    %get3A = arith.constant 0 : index
    %get3A_0 = arith.constant 0 : index
    %get3A_1 = vector.load %arg1[%get3A, %get3A_0] : memref<2048x1xi32, #tpu.memory_space<vmem>>, vector<2048x1xi32>
    %gt3A = arith.constant 0 : i32
    %gt3A_2 = vector.broadcast %gt3A : i32 to vector<2048x1xi32>
    %gt3A_3 = arith.cmpi sgt, %get3A_1, %gt3A_2 : vector<2048x1xi32>
    %convert_element_type3A = arith.extui %gt3A_3 : vector<2048x1xi1> to vector<2048x1xi32>
    %convert_element_type3A_4 = arith.sitofp %convert_element_type3A : vector<2048x1xi32> to vector<2048x1xf32>
    %broadcast_in_dim3A = arith.constant 0.000000e+00 : f32
    %broadcast_in_dim3A_5 = vector.broadcast %broadcast_in_dim3A : f32 to vector<1x1xf32>
    %slice3A = vector.extract_strided_slice %convert_element_type3A_4 {offsets = [0, 0], sizes = [2047, 1], strides = [1, 1]} : vector<2048x1xf32> to vector<2047x1xf32>
    %concatenate3A = tpu.concatenate %broadcast_in_dim3A_5, %slice3A in 0 : vector<1x1xf32>, vector<2047x1xf32> -> vector<2048x1xf32>
    %mul3A = arith.mulf %concatenate3A, %convert_element_type3A_4 : vector<2048x1xf32>
    %slice3A_6 = vector.extract_strided_slice %convert_element_type3A_4 {offsets = [1, 0], sizes = [2047, 1], strides = [1, 1]} : vector<2048x1xf32> to vector<2047x1xf32>
    %concatenate3A_7 = tpu.concatenate %slice3A_6, %broadcast_in_dim3A_5 in 0 : vector<2047x1xf32>, vector<1x1xf32> -> vector<2048x1xf32>
    %mul3A_8 = arith.mulf %mul3A, %concatenate3A_7 : vector<2048x1xf32>
    %broadcast_in_dim3A_9 = arith.constant 0.000000e+00 : f32
    %broadcast_in_dim3A_10 = vector.broadcast %broadcast_in_dim3A_9 : f32 to vector<1x4xf32>
    %get3A_11 = arith.constant 0 : index
    %get3A_12 = arith.constant 0 : index
    %get3A_13 = arith.constant 0 : index
    %get3A_14 = vector.load %arg0[%get3A_11, %get3A_12, %get3A_13] : memref<3x2048x4xf32, #tpu.memory_space<vmem>>, vector<1x2048x4xf32>
    %get3A_15 = vector.shape_cast %get3A_14 : vector<1x2048x4xf32> to vector<2048x4xf32>
    %slice3A_16 = vector.extract_strided_slice %get3A_15 {offsets = [0, 0], sizes = [2047, 4], strides = [1, 1]} : vector<2048x4xf32> to vector<2047x4xf32>
    %concatenate3A_17 = tpu.concatenate %broadcast_in_dim3A_10, %slice3A_16 in 0 : vector<1x4xf32>, vector<2047x4xf32> -> vector<2048x4xf32>
    %slice3A_18 = vector.extract_strided_slice %get3A_15 {offsets = [1, 0], sizes = [2047, 4], strides = [1, 1]} : vector<2048x4xf32> to vector<2047x4xf32>
    %concatenate3A_19 = tpu.concatenate %slice3A_18, %broadcast_in_dim3A_10 in 0 : vector<2047x4xf32>, vector<1x4xf32> -> vector<2048x4xf32>
    %concatenate3A_20 = tpu.concatenate %concatenate3A_17, %get3A_15, %concatenate3A_19 in 1 : vector<2048x4xf32>, vector<2048x4xf32>, vector<2048x4xf32> -> vector<2048x12xf32>
    %get3A_21 = arith.constant 1 : index
    %get3A_22 = arith.constant 0 : index
    %get3A_23 = arith.constant 0 : index
    %get3A_24 = vector.load %arg0[%get3A_21, %get3A_22, %get3A_23] : memref<3x2048x4xf32, #tpu.memory_space<vmem>>, vector<1x2048x4xf32>
    %get3A_25 = vector.shape_cast %get3A_24 : vector<1x2048x4xf32> to vector<2048x4xf32>
    %slice3A_26 = vector.extract_strided_slice %get3A_25 {offsets = [0, 0], sizes = [2047, 4], strides = [1, 1]} : vector<2048x4xf32> to vector<2047x4xf32>
    %concatenate3A_27 = tpu.concatenate %broadcast_in_dim3A_10, %slice3A_26 in 0 : vector<1x4xf32>, vector<2047x4xf32> -> vector<2048x4xf32>
    %slice3A_28 = vector.extract_strided_slice %get3A_25 {offsets = [1, 0], sizes = [2047, 4], strides = [1, 1]} : vector<2048x4xf32> to vector<2047x4xf32>
    %concatenate3A_29 = tpu.concatenate %slice3A_28, %broadcast_in_dim3A_10 in 0 : vector<2047x4xf32>, vector<1x4xf32> -> vector<2048x4xf32>
    %concatenate3A_30 = tpu.concatenate %concatenate3A_27, %get3A_25, %concatenate3A_29 in 1 : vector<2048x4xf32>, vector<2048x4xf32>, vector<2048x4xf32> -> vector<2048x12xf32>
    %get3A_31 = arith.constant 2 : index
    %get3A_32 = arith.constant 0 : index
    %get3A_33 = arith.constant 0 : index
    %get3A_34 = vector.load %arg0[%get3A_31, %get3A_32, %get3A_33] : memref<3x2048x4xf32, #tpu.memory_space<vmem>>, vector<1x2048x4xf32>
    %get3A_35 = vector.shape_cast %get3A_34 : vector<1x2048x4xf32> to vector<2048x4xf32>
    %slice3A_36 = vector.extract_strided_slice %get3A_35 {offsets = [0, 0], sizes = [2047, 4], strides = [1, 1]} : vector<2048x4xf32> to vector<2047x4xf32>
    %concatenate3A_37 = tpu.concatenate %broadcast_in_dim3A_10, %slice3A_36 in 0 : vector<1x4xf32>, vector<2047x4xf32> -> vector<2048x4xf32>
    %slice3A_38 = vector.extract_strided_slice %get3A_35 {offsets = [1, 0], sizes = [2047, 4], strides = [1, 1]} : vector<2048x4xf32> to vector<2047x4xf32>
    %concatenate3A_39 = tpu.concatenate %slice3A_38, %broadcast_in_dim3A_10 in 0 : vector<2047x4xf32>, vector<1x4xf32> -> vector<2048x4xf32>
    %concatenate3A_40 = tpu.concatenate %concatenate3A_37, %get3A_35, %concatenate3A_39 in 1 : vector<2048x4xf32>, vector<2048x4xf32>, vector<2048x4xf32> -> vector<2048x12xf32>
    %broadcast_in_dim3A_41 = arith.constant 0.000000e+00 : f32
    %broadcast_in_dim3A_42 = vector.broadcast %broadcast_in_dim3A_41 : f32 to vector<2048x91xf32>
    %concatenate3A_43 = tpu.concatenate %concatenate3A_20, %concatenate3A_30, %concatenate3A_40, %mul3A_8, %broadcast_in_dim3A_42 in 1 : vector<2048x12xf32>, vector<2048x12xf32>, vector<2048x12xf32>, vector<2048x1xf32>, vector<2048x91xf32> -> vector<2048x128xf32>
    %swap3A = arith.constant 0 : index
    %swap3A_44 = arith.constant 0 : index
    %swap3A_45 = vector.load %arg2[%swap3A, %swap3A_44] : memref<2048x128xf32, #tpu.memory_space<vmem>>, vector<2048x128xf32>
    tpu.vector_store %arg2[%swap3A, %swap3A_44], %concatenate3A_43 {strides = array<i32>} : memref<2048x128xf32, #tpu.memory_space<vmem>>, vector<2048x128xf32>,
    return
  }
}

</mosaic_0001>

<sc_bundles>
// kernel: kernel.5.cloned.1.call-start
scs
__scs_entry_jumppad:
0x0: {  	(pc) =	sbr.rel $0x88, $3  }
0x1: {  	(tag) =	ssettag $0x0;
	lr =	simm.s32 $0x1  }
0x2: {  	[smem:$0x3F9E] =	sst lr;
	_ =	strace $0xD0000000  }
0x3: {  	_ = 	snop  }
0x4: {  	_ = 	snop  }
0x5: {  	_ = 	snop  }
0x6: {  	_ = 	snop  }
0x7: {  	_ = 	snop  }
__scs_overlays_trampoline_lowered:
0x8: {  	[smem:$0x3FAD] =	sst s0  }
0x9: {  	[smem:$0x3FAE] =	sst s1  }
0xa: {  	[smem:$0x3FAF] =	sst s2  }
0xb: {  	[smem:$0x3FB0] =	sst s3  }
0xc: {  	[smem:$0x3FB1] =	sst s4  }
0xd: {  	[smem:$0x3FB2] =	sst s5  }
0xe: {  	[smem:$0x3FB3] =	sst s6  }
0xf: {  	[smem:$0x3FB4] =	sst s7  }
0x10: {  	[smem:$0x3FB5] =	sst s8  }
0x11: {  	[smem:$0x3FB6] =	sst s9;
	s0 =	simm.s32 @!p0 $0x0  }
0x12: {  	s1 =	sld [smem:$0x3F9C];
	s0 =	simm.s32 @p0 $0x1  }
0x13: {  	[smem:$0x3FB7] =	sst s0;
	s0 =	simm.s32 @!p1 $0x0  }
0x14: {  	s2 =	sld [smem:$0x3F9B];
	s0 =	simm.s32 @p1 $0x1  }
0x15: {  	[smem:$0x3FB8] =	sst s0;
	s0 =	simm.s32 @!p2 $0x0  }
0x16: {  	s3 =	sld [smem:$0x3FDB];
	s0 =	simm.s32 @p2 $0x1  }
0x17: {  	s4 =	simm.s32 $0x1BF5;
	[smem:$0x3FBA] =	sst s0  }
0x18: {  	s0 =	sld [smem:$0x3F9D];
	_ =	swait.ge [sflag:s4], $0x0  }
0x19: {  	s7 =	sld [smem:$0x3F9E]  }
0x1a: {  	s8 =	sadd.s32 $0xFFFFE003, lr  }
0x1b: {  	s9 =	sadd.s32 $0xFFFFFEF7, lr;
	s5 =	simm.s32 $0xFFFFFFFF;
	p2 =	slt.u32 s8, $0xFFFFF086  }
0x1c: {  	p1 =	slt.u32 s9, $0xF7A;
	s5 =	simm.s32 @!p2 $0x0  }
0x1d: {  	s5 =	simm.s32 @p1 $0x1;
	p0 =	seq.s32 s7, s2  }
0x1e: {  	s7 =	smul.u32 @!p0 $0xF7A, s2;
	p2 =	seq.s32 @!p0 s5, $0x0  }
0x1f: {  	s9 =	smul.u32 $0xF7A, s1;
	s8 =	simm.s32 @!p0 $0x1BF5;
	p2 =	por !p2, p0  }
0x20: {  	[sflag:s8] =	ssyncset.s32 @!p0 $0xFFFFF086;
	s6 =	sadd.s32 @!p0 s3, s7;
	s7 =	simm.s32 @!p0 $0x108  }
0x21: {  	s3 =	sadd.s32 s3, s9;
	s6 =	sadd.s32 @!p0 $0x88, s6;
	s7 =	simm.s32 @p2 $0x1082  }
0x22: {  	[simem:s7], [sflag:s8] =	dma.local @!p0 [hbm:s6], $0xF7A  }
0x23: {  	s9 =	sor.u32 $0xD0000000, s2;
	s6 =	simm.s32 $0x108;
	_ =	swait.ge @!p0 [sflag:s8], $0x0  }
0x24: {  	s3 =	sadd.s32 $0x88, s3;
	s6 =	simm.s32 @!p1 $0x1082;
	[sflag:s4] =	ssyncset.s32 $0xFFFFF086  }
0x25: {  	[simem:s6], [sflag:s4] =	dma.local [hbm:s3], $0xF7A  }
0x26: {  	[smem:$0x3F9E] =	sst s1;
	(tag) =	ssettag s2;
	_ =	strace s9  }
0x27: {  	s1 =	sld [smem:$0x3FAE]  }
0x28: {  	s2 =	sld [smem:$0x3FAF]  }
0x29: {  	s4 =	sld [smem:$0x3FB1]  }
0x2a: {  	p0 =	seq.s32 s5, $0x0;
	s5 =	sld [smem:$0x3FB2]  }
0x2b: {  	s6 =	sld [smem:$0x3FB3]  }
0x2c: {  	s7 =	sld [smem:$0x3FB4]  }
0x2d: {  	s3 =	simm.s32 $0x108;
	s8 =	sld [smem:$0x3FB5]  }
0x2e: {  	s3 =	simm.s32 @!p0 $0x1082;
	s9 =	sld [smem:$0x3FB6]  }
0x2f: {  	lr =	sadd.s32 s0, s3;
	s0 =	sld [smem:$0x3FAD]  }
0x30: {  	s3 =	sld [smem:$0x3FB0]  }
0x31: {  	[smem:$0x3FB9] =	sst s10  }
0x32: {  	s10 =	sld [smem:$0x3FB7];
	_ =	sdelay $0x3  }
0x33: {  	p0 =	seq.s32 s10, $0x1;
	s10 =	sld [smem:$0x3FB9];
	_ =	sdelay $0x3  }
0x34: {  	[smem:$0x3FB9] =	sst s10  }
0x35: {  	s10 =	sld [smem:$0x3FB8];
	_ =	sdelay $0x3  }
0x36: {  	p1 =	seq.s32 s10, $0x1;
	s10 =	sld [smem:$0x3FB9];
	_ =	sdelay $0x3  }
0x37: {  	[smem:$0x3FB9] =	sst s10  }
0x38: {  	s10 =	sld [smem:$0x3FBA]  }
0x39: {  	_ = 	snop;
	(pc) =	sbr.ind lr, $3  }
0x3a: {  	_ = 	snop  }
0x3b: {  	_ = 	snop  }
0x3c: {  	p2 =	seq.s32 s10, $0x1;
	s10 =	sld [smem:$0x3FB9]  }
0x3d: {  	_ =	shalt  }
0x3e: {  	_ =	shalt  }
0x3f: {  	_ =	shalt  }
0x40: {  	_ =	shalt  }
0x41: {  	_ =	shalt  }
0x42: {  	_ =	shalt  }
0x43: {  	_ =	shalt  }
0x44: {  	_ =	shalt  }
0x45: {  	_ =	shalt  }
0x46: {  	_ =	shalt  }
0x47: {  	_ =	shalt  }
0x48: {  	_ =	shalt  }
0x49: {  	_ =	shalt  }
0x4a: {  	_ =	shalt  }
0x4b: {  	_ =	shalt  }
0x4c: {  	_ =	shalt  }
0x4d: {  	_ =	shalt  }
0x4e: {  	_ =	shalt  }
0x4f: {  	_ =	shalt  }
0x50: {  	_ =	shalt  }
0x51: {  	_ =	shalt  }
0x52: {  	_ =	shalt  }
0x53: {  	_ =	shalt  }
0x54: {  	_ =	shalt  }
0x55: {  	_ =	shalt  }
0x56: {  	_ =	shalt  }
0x57: {  	_ =	shalt  }
0x58: {  	_ =	shalt  }
0x59: {  	_ =	shalt  }
0x5a: {  	_ =	shalt  }
0x5b: {  	_ =	shalt  }
0x5c: {  	_ =	shalt  }
0x5d: {  	_ =	shalt  }
0x5e: {  	_ =	shalt  }
0x5f: {  	_ =	shalt  }
0x60: {  	_ =	shalt  }
0x61: {  	_ =	shalt  }
0x62: {  	_ =	shalt  }
0x63: {  	_ =	shalt  }
0x64: {  	_ =	shalt  }
0x65: {  	_ =	shalt  }
0x66: {  	_ =	shalt  }
0x67: {  	_ =	shalt  }
0x68: {  	_ =	shalt  }
0x69: {  	_ =	shalt  }
0x6a: {  	_ =	shalt  }
0x6b: {  	_ =	shalt  }
0x6c: {  	_ =	shalt  }
0x6d: {  	_ =	shalt  }
0x6e: {  	_ =	shalt  }
0x6f: {  	_ =	shalt  }
0x70: {  	_ =	shalt  }
0x71: {  	_ =	shalt  }
0x72: {  	_ =	shalt  }
0x73: {  	_ =	shalt  }
0x74: {  	_ =	shalt  }
0x75: {  	_ =	shalt  }
0x76: {  	_ =	shalt  }
0x77: {  	_ =	shalt  }
0x78: {  	_ =	shalt  }
0x79: {  	_ =	shalt  }
0x7a: {  	_ =	shalt  }
0x7b: {  	_ =	shalt  }
0x7c: {  	_ =	shalt  }
0x7d: {  	_ =	shalt  }
0x7e: {  	_ =	shalt  }
0x7f: {  	_ =	shalt  }
0x80: {  	_ =	shalt  }
0x81: {  	_ =	shalt  }
0x82: {  	_ =	shalt  }
0x83: {  	_ =	shalt  }
0x84: {  	_ =	shalt  }
0x85: {  	_ =	shalt  }
0x86: {  	_ =	shalt  }
0x87: {  	_ =	shalt  }
.Lfunc_end0:
.L_simem_size_0:
called_computation.1_lowered:
.L_overlay_start_0:
0x88: {  	s2 =	sld [smem:$0x3FD9]  }
0x89: {  	s3 =	sld [smem:$0x3FFE];
	_ =	sdelay $0x1  }
0x8a: {  	s1 =	srdreg.scid  }
0x8b: {  	s0 =	sand.u32 $0x1, s1  }
0x8c: {  	s17 =	sshll.u32 s0, $0xA;
	s2 =	sadd.s32 s3, s2  }
0x8d: {  	s2 =	sadd.s32 s2, s17  }
0x8e: {  	[smem:$0x3FC5] =	sst s2  }
0x8f: {  	_ = 	snop  }
0x90: {  	s2 =	sld [smem:$0x3FD0];
	(tm) =	ssettm $0x1  }
0x91: {  	s18 =	sld [smem:$0x3FFB];
	_ =	sdelay $0x3  }
0x92: {  	_ =	strace s18  }
0x93: {  	s3 =	sld [smem:$0x3FFC];
	_ =	sdelay $0x3  }
0x94: {  	_ =	strace s3  }
0x95: {  	s3 =	sld [smem:$0x3FFD];
	_ =	sdelay $0x3  }
0x96: {  	_ =	strace s3  }
0x97: {  	_ =	strace $0x8FFFFFFF  }
0x98: {  	s19 =	sld [smem:$0x3FDB];
	_ =	sdelay $0x1  }
0x99: {  	s4 =	simm.s32 $_scs_section_size  }
0x9a: {  	s5 =	simm.s32 $_size__tile_overlayer_lowered;
	s6 =	simm.s32 $_tile_overlayer_lowered  }
0x9b: {  	s22 =	simm.s32 $0x1BFF;
	s21 =	sshll.u32 s6, $0x1;
	s3 =	sadd.s32 s4, s19  }
0x9c: {  	s7 =	simm.s32 $0x0;
	s20 =	sshll.u32 s5, $0x1;
	s5 =	sadd.s32 s21, s3  }
0x9d: {  	[timem:s7], [sflag:s22] =	dma.local [hbm:s5], s20  }
0x9e: {  	_ =	swait.ge [sflag:s22], s20  }
0x9f: {  	s4 =	ssub.s32 $0x0, s20;
	[sflag:s22] =	ssyncset.done $0x0  }
0xa0: {  	[sflag:s22] =	ssyncadd.s32 s4;
	_ =	sdelay $0x1  }
0xa1: {  	s23 =	simm.s32 $0x1B8B  }
0xa2: {  	_ =	swait.ge [sflag:s23], $0x1  }
0xa3: {  	[sflag:s23] =	ssyncset.done $0x0  }
0xa4: {  	s25 =	simm.s32 $0x1B8E;
	s24 =	sld [smem:$0x3FFE];
	[sflag:s23] =	ssyncadd.s32 $0xFFFFFFFF  }
0xa5: {  	s26 =	simm.s32 $execute0_lowered;
	[smem:$0x3FD2] =	sst s25  }
0xa6: {  	s5 =	sshll.u32 s26, $0x1;
	_ =	strace $0x80000046;
	[dreg:$0x1] =	wrdreg $0xFFFFFFFF  }
0xa7: {  	s28 =	simm.s32 $_size_execute0_lowered;
	s3 =	sadd.s32 s3, s5;
	[dreg:$0x0] =	wrdreg $0x0  }
0xa8: {  	s5 =	sshll.u32 s28, $0x1;
	[dreg:$0x2] =	wrdreg s3  }
0xa9: {  	[dreg:$0x3] =	wrdreg s5  }
0xaa: {  	[dreg:$0x4] =	wrdreg $0xC0  }
0xab: {  	_ =	task [dreg:s7], $0x5FFFF  }
0xac: {  	[dreg:$0x1] =	wrdreg $0xFFFFFFFF  }
0xad: {  	[dreg:$0x0] =	wrdreg $0x60  }
0xae: {  	[dreg:$0x2] =	wrdreg s24  }
0xaf: {  	[dreg:$0x3] =	wrdreg s2  }
0xb0: {  	[dreg:$0x4] =	wrdreg $0x9  }
0xb1: {  	_ =	task.clear_ibuf [dreg:s7], $0x5FFFF;
	_ =	strace $0x90000046  }
0xb2: {  	s29 =	simm.s32 $0x9;
	_ =	strace $0x80000048  }
0xb3: {  	_ =	swait.ge [sflag:s29], $0x1  }
0xb4: {  	[sflag:s29] =	ssyncadd.s32 $0xFFFFFFFF  }
0xb5: {  	_ =	strace $0x90000048  }
0xb6: {  	_ =	sfence  }
0xb7: {  	s30 =	sld [smem:$0x0];
	_ =	sdelay $0x2  }
0xb8: {  	s31 =	sshll.u32 s1, $0xD;
	s1 =	sshrl.u32 s1, $0x2  }
0xb9: {  	s3 =	sand.u32 $0x4000, s31;
	s1 =	sadd.s32 s1, s30  }
0xba: {  	s0 =	sor.u32 s3, s0;
	s1 =	sshll.u32 s1, $0x11  }
0xbb: {  	s0 =	sor.u32 s1, s0  }
0xbc: {  	s0 =	sadd.s32 $0x8F2B, s0  }
0xbd: {  	[sflag:s0] =	ssyncadd.remote.s32 $0x1  }
0xbe: {  	_ =	sfence.sel $0xFFFF  }
0xbf: {  	[dreg:$0x0] =	wrdreg $0xFFFFFFFF;
	(pc) =	sbr.abs _section_cstart, $3  }
0xc0: {  	[dreg:$0x1] =	wrdreg $0xFFFFFFFF  }
0xc1: {  	_ =	task.clear_ibuf [dreg:s7], $0x2FFFF;
	_ =	strace $0x9FFFFFFF  }
0xc2: {  	(tm) =	ssettm $0x7FFFFFFF  }
0xc3: {  	_ =	shalt  }
tec
execute0_lowered:
.L_overlay_start_1:
0x0: {  	(tag) =	ssettag $0x1  }
0x1: {  	s1 =	srdreg.scid;
	s0 =	stileid.u32  }
0x2: {  	s5 =	rddreg [dreg:$0x0];
	s19 =	sand.u32 $0x1, s1;
	s31 =	sshll.u32 s0, $0x1  }
0x3: {  	s14 =	rddreg [dreg:$0x1];
	s15 =	sor.u32 s19, s31  }
0x4: {  	s2 =	simm.s32 $0x0;
	s1 =	rddreg [dreg:$0x2];
	s3 =	sshll.u32 s15, $0x7  }
0x5: {  	[smem:$0x7FF] =	sst s2;
	s3 =	sadd.s32 s3, s5  }
0x6: {  	_ =	strace $0x80000047;
	s4 =	sadd.s32 $0x1200, s3;
	s3 =	simm.s32 $0x2  }
0x7: {  	[tilespmem:s2], [sflag:$0x2] =	stream.linear.gather [hbm4b:s4+s2], $0x400, $0x38;
	[tilespmem:$0x10400] =	vst v63  }
0x8: {  	_ =	swait.ge [sflag:s3], $0x400  }
0x9: {  	s6 =	simm.s32 $0x80;
	[sflag:s3] =	ssyncset.done $0x0  }
0xa: {  	s7 =	simm.s32 $0x400;
	s5 =	sadd.s32 $0x2200, s5;
	[sflag:s3] =	ssyncadd.s32 $0xFFFFFC00  }
0xb: {  	[tilespmem:s7], [sflag:$0x1] =	stream.indirect.gather [hbm4b:s5+s6], $0x80, s2, s6, $0xb8;
	[tilespmem:$0x10400] =	vst v63  }
0xc: {  	s8 =	simm.s32 $0x4400  }
0xd: {  	[tilespmem:s8], [sflag:$0x1] =	stream.indirect.gather [hbm4b:s5+s6], $0x80, s6, s6, $0xb8;
	[tilespmem:$0x10400] =	vst v63  }
0xe: {  	s9 =	simm.s32 $0x100;
	s10 =	simm.s32 $0x8400  }
0xf: {  	[tilespmem:s10], [sflag:$0x1] =	stream.indirect.gather [hbm4b:s5+s6], $0x80, s9, s6, $0xb8;
	[tilespmem:$0x10400] =	vst v63  }
0x10: {  	s11 =	simm.s32 $0x180;
	s12 =	simm.s32 $0xC400;
	s13 =	simm.s32 $0x1  }
0x11: {  	[tilespmem:s12], [sflag:$0x1] =	stream.indirect.gather [hbm4b:s5+s6], $0x80, s11, s6, $0xb8;
	[tilespmem:$0x10400] =	vst v63  }
0x12: {  	_ =	swait.ge [sflag:s13], $0x4000  }
0x13: {  	[sflag:s13] =	ssyncset.done $0x0  }
0x14: {  	[sflag:s13] =	ssyncadd.s32 $0xFFFFC000  }
0x15: {  	_ =	swait.ge [sflag:s13], $0x4000  }
0x16: {  	[sflag:s13] =	ssyncset.done $0x0  }
0x17: {  	[sflag:s13] =	ssyncadd.s32 $0xFFFFC000  }
0x18: {  	_ =	swait.ge [sflag:s13], $0x4000  }
0x19: {  	[sflag:s13] =	ssyncset.done $0x0  }
0x1a: {  	[sflag:s13] =	ssyncadd.s32 $0xFFFFC000  }
0x1b: {  	_ =	swait.ge [sflag:s13], $0x4000  }
0x1c: {  	s15 =	sshll.u32 s15, $0xE;
	[sflag:s13] =	ssyncset.done $0x0  }
0x1d: {  	s14 =	sadd.s32 s14, s15;
	[sflag:s13] =	ssyncadd.s32 $0xFFFFC000  }
0x1e: {  	[hbm4b:s14+s2] =	stream.linear.scatter [tilespmem:s7], [sflag:$0x2], $0x10000, $0x38;
	[tilespmem:$0x10400] =	vst v63  }
0x1f: {  	_ =	swait.ge [sflag:s3], $0x10000  }
0x20: {  	[sflag:s3] =	ssyncset.done $0x0  }
0x21: {  	s15 =	simm.s32 $0x200;
	[sflag:s3] =	ssyncadd.s32 $0xFFFF0000  }
0x22: {  	[tilespmem:s7], [sflag:$0x1] =	stream.indirect.gather [hbm4b:s5+s6], $0x80, s15, s6, $0xb8;
	[tilespmem:$0x10400] =	vst v63  }
0x23: {  	s16 =	simm.s32 $0x280  }
0x24: {  	[tilespmem:s8], [sflag:$0x1] =	stream.indirect.gather [hbm4b:s5+s6], $0x80, s16, s6, $0xb8;
	[tilespmem:$0x10400] =	vst v63  }
0x25: {  	s17 =	simm.s32 $0x300  }
0x26: {  	[tilespmem:s10], [sflag:$0x1] =	stream.indirect.gather [hbm4b:s5+s6], $0x80, s17, s6, $0xb8;
	[tilespmem:$0x10400] =	vst v63  }
0x27: {  	s18 =	simm.s32 $0x380  }
0x28: {  	[tilespmem:s12], [sflag:$0x1] =	stream.indirect.gather [hbm4b:s5+s6], $0x80, s18, s6, $0xb8;
	[tilespmem:$0x10400] =	vst v63  }
0x29: {  	_ =	swait.ge [sflag:s13], $0x4000  }
0x2a: {  	[sflag:s13] =	ssyncset.done $0x0  }
0x2b: {  	[sflag:s13] =	ssyncadd.s32 $0xFFFFC000  }
0x2c: {  	_ =	swait.ge [sflag:s13], $0x4000  }
0x2d: {  	[sflag:s13] =	ssyncset.done $0x0  }
0x2e: {  	s19 =	ssub.s32 $0x2, s19;
	[sflag:s13] =	ssyncadd.s32 $0xFFFFC000  }
0x2f: {  	s20 =	sshrl.u32 s19, $0x1;
	_ =	swait.ge [sflag:s13], $0x4000  }
0x30: {  	s20 =	ssub.s32 s19, s20;
	[sflag:s13] =	ssyncset.done $0x0  }
0x31: {  	s20 =	smax.u32 s20, $0x1;
	[sflag:s13] =	ssyncadd.s32 $0xFFFFC000  }
0x32: {  	p0 =	sne.s32 s20, $0x1;
	_ =	swait.ge [sflag:s13], $0x4000  }
.Ltmp0:
0x33: {  	[sflag:s13] =	ssyncset.done $0x0;
	(pc) =	sbr.rel @!p0 .LBB2_2-.Ltmp0, $4  }
0x34: {  	s19 =	sadd.s32 $0x2000, s14;
	[sflag:s13] =	ssyncadd.s32 $0xFFFFC000  }
0x35: {  	[hbm4b:s19+s2] =	stream.linear.scatter [tilespmem:s7], [sflag:$0x2], $0x10000, $0x38;
	[tilespmem:$0x10400] =	vst v63  }
0x36: {  	_ =	swait.ge [sflag:s3], $0x10000  }
0x37: {  	s20 =	sadd.s32 $0xFFFFFFFF, s20;
	[sflag:s3] =	ssyncset.done $0x0  }
.LBB2_1:
0x38: {  	p0 =	sne.s32 s20, $0x1;
	s20 =	sadd.s32 $0xFFFFFFFF, s20;
	[sflag:s3] =	ssyncadd.s32 $0xFFFF0000  }
0x39: {  	[tilespmem:s2], [sflag:$0x2] =	stream.linear.gather [hbm4b:s4+s2], $0x400, $0x38;
	[tilespmem:$0x10400] =	vst v63  }
0x3a: {  	_ =	swait.ge [sflag:s3], $0x400  }
0x3b: {  	[sflag:s3] =	ssyncset.done $0x0  }
0x3c: {  	[sflag:s3] =	ssyncadd.s32 $0xFFFFFC00  }
0x3d: {  	[tilespmem:s7], [sflag:$0x1] =	stream.indirect.gather [hbm4b:s5+s6], $0x80, s2, s6, $0xb8;
	[tilespmem:$0x10400] =	vst v63  }
0x3e: {  	_ = 	snop  }
0x3f: {  	[tilespmem:s8], [sflag:$0x1] =	stream.indirect.gather [hbm4b:s5+s6], $0x80, s6, s6, $0xb8;
	[tilespmem:$0x10400] =	vst v63  }
0x40: {  	_ = 	snop  }
0x41: {  	[tilespmem:s10], [sflag:$0x1] =	stream.indirect.gather [hbm4b:s5+s6], $0x80, s9, s6, $0xb8;
	[tilespmem:$0x10400] =	vst v63  }
0x42: {  	_ = 	snop  }
0x43: {  	[tilespmem:s12], [sflag:$0x1] =	stream.indirect.gather [hbm4b:s5+s6], $0x80, s11, s6, $0xb8;
	[tilespmem:$0x10400] =	vst v63  }
0x44: {  	_ =	swait.ge [sflag:s13], $0x4000  }
0x45: {  	[sflag:s13] =	ssyncset.done $0x0  }
0x46: {  	[sflag:s13] =	ssyncadd.s32 $0xFFFFC000  }
0x47: {  	_ =	swait.ge [sflag:s13], $0x4000  }
0x48: {  	[sflag:s13] =	ssyncset.done $0x0  }
0x49: {  	[sflag:s13] =	ssyncadd.s32 $0xFFFFC000  }
0x4a: {  	_ =	swait.ge [sflag:s13], $0x4000  }
0x4b: {  	[sflag:s13] =	ssyncset.done $0x0  }
0x4c: {  	[sflag:s13] =	ssyncadd.s32 $0xFFFFC000  }
0x4d: {  	_ =	swait.ge [sflag:s13], $0x4000  }
0x4e: {  	[sflag:s13] =	ssyncset.done $0x0  }
0x4f: {  	[sflag:s13] =	ssyncadd.s32 $0xFFFFC000  }
0x50: {  	[hbm4b:s14+s2] =	stream.linear.scatter [tilespmem:s7], [sflag:$0x2], $0x10000, $0x38;
	[tilespmem:$0x10400] =	vst v63  }
0x51: {  	_ =	swait.ge [sflag:s3], $0x10000  }
0x52: {  	[sflag:s3] =	ssyncset.done $0x0  }
0x53: {  	[sflag:s3] =	ssyncadd.s32 $0xFFFF0000  }
0x54: {  	[tilespmem:s7], [sflag:$0x1] =	stream.indirect.gather [hbm4b:s5+s6], $0x80, s15, s6, $0xb8;
	[tilespmem:$0x10400] =	vst v63  }
0x55: {  	_ = 	snop  }
0x56: {  	[tilespmem:s8], [sflag:$0x1] =	stream.indirect.gather [hbm4b:s5+s6], $0x80, s16, s6, $0xb8;
	[tilespmem:$0x10400] =	vst v63  }
0x57: {  	_ = 	snop  }
0x58: {  	[tilespmem:s10], [sflag:$0x1] =	stream.indirect.gather [hbm4b:s5+s6], $0x80, s17, s6, $0xb8;
	[tilespmem:$0x10400] =	vst v63  }
0x59: {  	_ = 	snop  }
0x5a: {  	[tilespmem:s12], [sflag:$0x1] =	stream.indirect.gather [hbm4b:s5+s6], $0x80, s18, s6, $0xb8;
	[tilespmem:$0x10400] =	vst v63  }
0x5b: {  	_ =	swait.ge [sflag:s13], $0x4000  }
0x5c: {  	[sflag:s13] =	ssyncset.done $0x0  }
0x5d: {  	[sflag:s13] =	ssyncadd.s32 $0xFFFFC000  }
0x5e: {  	_ =	swait.ge [sflag:s13], $0x4000  }
0x5f: {  	[sflag:s13] =	ssyncset.done $0x0  }
0x60: {  	[sflag:s13] =	ssyncadd.s32 $0xFFFFC000  }
0x61: {  	_ =	swait.ge [sflag:s13], $0x4000  }
0x62: {  	[sflag:s13] =	ssyncset.done $0x0  }
0x63: {  	[sflag:s13] =	ssyncadd.s32 $0xFFFFC000  }
0x64: {  	_ =	swait.ge [sflag:s13], $0x4000  }
.Ltmp1:
0x65: {  	[sflag:s13] =	ssyncset.done $0x0;
	(pc) =	sbr.rel @p0 .LBB2_1-.Ltmp1, $4  }
0x66: {  	[sflag:s13] =	ssyncadd.s32 $0xFFFFC000  }
0x67: {  	[hbm4b:s19+s2] =	stream.linear.scatter [tilespmem:s7], [sflag:$0x2], $0x10000, $0x38;
	[tilespmem:$0x10400] =	vst v63  }
0x68: {  	_ =	swait.ge [sflag:s3], $0x10000  }
0x69: {  	[sflag:s3] =	ssyncset.done $0x0  }
.LBB2_2:
0x6a: {  	[sflag:s3] =	ssyncadd.s32 $0xFFFF0000  }
0x6b: {  	_ =	sfence.sel $0x180000  }
0x6c: {  	[bflag:$0x0] =	sbarrier.arrive $0xFFFF  }
0x6d: {  	p0 =	sne.s32 s0, $0x0;
	_ =	strace $0x90000047  }
0x6e: {  	s0 =	sadd.s32 @!p0 $0x100000, s1;
	[bflag:$0x2] =	sbarrier.arrive $0xFFFF  }
0x6f: {  	[sflag:s0] =	ssyncadd.tile.s32 @!p0 $0x1;
	_ =	shalt  }
.Lfunc_end2:
_tile_overlayer_lowered:
.L_overlay_start_2:
0x70: {  	(tag) =	ssettag $0x2  }
0x71: {  	s0 =	rddreg [dreg:$0x0];
	s2 =	stileid.u32  }
0x72: {  	s1 =	rddreg [dreg:$0x1];
	p0 =	sne.s32 s2, $0x0  }
0x73: {  	s3 =	rddreg [dreg:$0x2];
	[bflag:$0x3] =	sbarrier.arrive $0xFFFF;
	s2 =	simm.s32 @!p0 $0x1C02  }
0x74: {  	[timem:s3], [sflag:s2] =	dma.local @!p0 [hbm:s0], s1  }
0x75: {  	s0 =	simm.s32 @!p0 $0x2  }
0x76: {  	_ =	swait.ge @!p0 [sflag:s0], s1  }
0x77: {  	s1 =	ssub.s32 @!p0 $0x0, s1;
	[sflag:s0] =	ssyncset.done @!p0 $0x0  }
0x78: {  	[sflag:s0] =	ssyncadd.s32 @!p0 s1  }
0x79: {  	[bflag:$0x3] =	sbarrier.arrive $0xFFFF  }
0x7a: {  	_ =	shalt  }

// kernel: sparse-core-data-format-call.cloned.1.call-start
scs
called_computation_lowered:
.L_overlay_start_0:
0x0: {  	s2 =	sld [smem:$0x3FD9]  }
0x1: {  	s3 =	sld [smem:$0x3FFE];
	_ =	sdelay $0x1  }
0x2: {  	s1 =	srdreg.scid  }
0x3: {  	s0 =	sand.u32 $0x1, s1  }
0x4: {  	s18 =	sshll.u32 s0, $0xA;
	s2 =	sadd.s32 s3, s2  }
0x5: {  	s2 =	sadd.s32 s2, s18  }
0x6: {  	[smem:$0x3FC5] =	sst s2  }
0x7: {  	_ = 	snop  }
0x8: {  	s2 =	sld [smem:$0x3FD0];
	(tm) =	ssettm $0x1  }
0x9: {  	s19 =	sld [smem:$0x3FFB];
	_ =	sdelay $0x3  }
0xa: {  	_ =	strace s19  }
0xb: {  	s3 =	sld [smem:$0x3FFC];
	_ =	sdelay $0x3  }
0xc: {  	_ =	strace s3  }
0xd: {  	s3 =	sld [smem:$0x3FFD];
	_ =	sdelay $0x3  }
0xe: {  	_ =	strace s3  }
0xf: {  	_ =	strace $0x8FFFFFFF  }
0x10: {  	s20 =	sld [smem:$0x3FDB];
	_ =	sdelay $0x1  }
0x11: {  	s4 =	simm.s32 $_scs_section_size  }
0x12: {  	s5 =	simm.s32 $_size__tile_overlayer_lowered;
	s6 =	simm.s32 $_tile_overlayer_lowered  }
0x13: {  	s23 =	simm.s32 $0x1BFF;
	s22 =	sshll.u32 s6, $0x1;
	s3 =	sadd.s32 s4, s20  }
0x14: {  	s7 =	simm.s32 $0x0;
	s21 =	sshll.u32 s5, $0x1;
	s5 =	sadd.s32 s22, s3  }
0x15: {  	[timem:s7], [sflag:s23] =	dma.local [hbm:s5], s21  }
0x16: {  	_ =	swait.ge [sflag:s23], s21  }
0x17: {  	s4 =	ssub.s32 $0x0, s21;
	[sflag:s23] =	ssyncset.done $0x0  }
0x18: {  	[sflag:s23] =	ssyncadd.s32 s4;
	_ =	sdelay $0x1  }
0x19: {  	s24 =	simm.s32 $0x1B8B  }
0x1a: {  	_ =	swait.ge [sflag:s24], $0x1  }
0x1b: {  	[sflag:s24] =	ssyncset.done $0x0  }
0x1c: {  	s26 =	simm.s32 $0x1B8E;
	s25 =	sld [smem:$0x3FFE];
	[sflag:s24] =	ssyncadd.s32 $0xFFFFFFFF  }
0x1d: {  	s27 =	simm.s32 $execute0_lowered;
	[smem:$0x3FD2] =	sst s26  }
0x1e: {  	s5 =	sshll.u32 s27, $0x1;
	_ =	strace $0x80000049;
	[dreg:$0x1] =	wrdreg $0xFFFFFFFF  }
0x1f: {  	s28 =	simm.s32 $_size_execute0_lowered;
	s3 =	sadd.s32 s3, s5;
	[dreg:$0x0] =	wrdreg $0x0  }
0x20: {  	s5 =	sshll.u32 s28, $0x1;
	[dreg:$0x2] =	wrdreg s3  }
0x21: {  	[dreg:$0x3] =	wrdreg s5  }
0x22: {  	[dreg:$0x4] =	wrdreg $0xC0  }
0x23: {  	_ =	task [dreg:s7], $0x5FFFF  }
0x24: {  	[dreg:$0x1] =	wrdreg $0xFFFFFFFF  }
0x25: {  	[dreg:$0x0] =	wrdreg $0x60  }
0x26: {  	[dreg:$0x2] =	wrdreg s25  }
0x27: {  	[dreg:$0x3] =	wrdreg s2  }
0x28: {  	[dreg:$0x4] =	wrdreg $0x9  }
0x29: {  	_ =	task.clear_ibuf [dreg:s7], $0x5FFFF;
	_ =	strace $0x90000049  }
0x2a: {  	s29 =	simm.s32 $0x9;
	_ =	strace $0x8000004B  }
0x2b: {  	_ =	swait.ge [sflag:s29], $0x1  }
0x2c: {  	[sflag:s29] =	ssyncadd.s32 $0xFFFFFFFF  }
0x2d: {  	_ =	strace $0x9000004B  }
0x2e: {  	_ =	sfence  }
0x2f: {  	s30 =	sld [smem:$0x0];
	_ =	sdelay $0x2  }
0x30: {  	s31 =	sshll.u32 s1, $0xD;
	s1 =	sshrl.u32 s1, $0x2  }
0x31: {  	s3 =	sand.u32 $0x4000, s31;
	s1 =	sadd.s32 s1, s30  }
0x32: {  	s0 =	sor.u32 s3, s0;
	s1 =	sshll.u32 s1, $0x11  }
0x33: {  	s0 =	sor.u32 s1, s0  }
0x34: {  	s0 =	sadd.s32 $0x8F2B, s0  }
0x35: {  	[sflag:s0] =	ssyncadd.remote.s32 $0x1  }
0x36: {  	_ =	sfence.sel $0xFFFF  }
0x37: {  	[dreg:$0x0] =	wrdreg $0xFFFFFFFF;
	(pc) =	sbr.abs _section_cstart, $3  }
0x38: {  	[dreg:$0x1] =	wrdreg $0xFFFFFFFF  }
0x39: {  	_ =	task.clear_ibuf [dreg:s7], $0x2FFFF;
	_ =	strace $0x9FFFFFFF  }
0x3a: {  	(tm) =	ssettm $0x7FFFFFFF  }
0x3b: {  	_ =	shalt  }
tec
execute0_lowered:
.L_overlay_start_1:
0x0: {  	(tag) =	ssettag $0x1  }
0x1: {  	s0 =	stileid.u32  }
0x2: {  	s2 =	srdreg.scid;
	s7 =	rddreg [dreg:$0x0]  }
0x3: {  	s8 =	simm.s32 $0x2;
	s17 =	simm.s32 $0x0;
	s1 =	sshll.u32 s0, $0x7  }
0x4: {  	s9 =	simm.s32 $0x4000;
	s19 =	simm.s32 $0x0;
	s3 =	ssub.s32 $0x800, s1  }
0x5: {  	s18 =	simm.s32 $0x0;
	s2 =	sand.u32 $0x1, s2;
	s4 =	sand.u32 $0x780, s3  }
0x6: {  	s5 =	ssub.s32 $0x10, s2;
	p0 =	sne.s32 s4, $0x0;
	s4 =	simm.s32 $0x1  }
0x7: {  	s3 =	sshrl.u32 s3, $0xB;
	s6 =	sshrl.u32 s5, $0x1;
	s4 =	simm.s32 @!p0 $0x0  }
0x8: {  	s10 =	simm.s32 $0x0;
	s5 =	ssub.s32 s5, s6;
	s3 =	sadd.s32 s4, s3  }
0x9: {  	s11 =	simm.s32 $0x0;
	s12 =	simm.s32 $0x0;
	s6 =	smul.u32 s3, s5  }
.Ltmp0:
0xa: {  	s13 =	simm.s32 $0x0;
	s4 =	rddreg [dreg:$0x1];
	(pc) =	sbr.rel .LBB1_1-.Ltmp0, $4  }
0xb: {  	s16 =	simm.s32 $0x0;
	s7 =	sadd.s32 $0x1200, s7;
	s3 =	rddreg [dreg:$0x2]  }
0xc: {  	_ =	strace $0x8000004A;
	s5 =	simm.s32 $0x1;
	s6 =	smul.u32 $0x5, s6  }
0xd: {  	s14 =	smov.u32 s2;
	s15 =	smov.u32 s1;
	[sflag:s5] =	ssyncpa.u1 $0x0  }
0xe: {  	p0 =	por $0x0, $0x0;
	[sflag:s8] =	ssyncpa.u1 $0x0;
	s8 =	sadd.s32 $0x1, s6  }
.LBB1_4:
0xf: {  	s24 =	sshra.s32 s24, $0x2;
	s30 =	sshll.u32 s10, $0xB  }
0x10: {  	p1 =	sgt.s32 s11, $0xF;
	s25 =	smov.u32 s11;
	s26 =	sshra.s32 s11, $0x1F  }
0x11: {  	s27 =	sshll.u32 s12, $0x3;
	s29 =	smov.u32 s12;
	s23 =	sadd.s32 s24, s23  }
0x12: {  	s25 =	simm.s32 @!p1 $0xF;
	s26 =	sand.u32 s26, s11;
	s24 =	sand.u32 $0xFFFFC000, s30  }
0x13: {  	s28 =	sand.u32 $0xFFFFFC00, s27;
	p1 =	sgt.s32 s10, $0x1C0;
	s30 =	sshra.s32 s12, $0x1F  }
0x14: {  	s25 =	ssub.s32 s25, s26;
	s24 =	sadd.s32 s28, s24;
	s28 =	smov.u32 s10  }
0x15: {  	[tilespmem:s22+$0x2040 ss:$0x81] =	vst.msk $0xffff, v4;
	s31 =	sand.u32 s30, s12;
	s30 =	sshll.u32 s10, $0x7;
	s26 =	sadd.s32 $0xFFFFFFF1, s25  }
0x16: {  	[tilespmem:s22+$0x2850 ss:$0x81] =	vst.msk $0xffff, v3;
	s28 =	simm.s32 @!p1 $0x1C0;
	p1 =	sgt.s32 s12, $0x780;
	s24 =	sshrl.u32 s24, $0xB  }
0x17: {  	v5 =	vld [tilespmem:s21+$0xFFFFFFD0];
	[tilespmem:s22+$0x3060 ss:$0x81] =	vst.msk $0xffff, v2;
	s25 =	ssub.s32 $0x10, s25;
	s29 =	simm.s32 @!p1 $0x780;
	p1 =	sgt.s32 s26, $0x0  }
0x18: {  	v58 =	vld [tilespmem:s21+$0xFFFFFFE0];
	[tilespmem:s22+$0x0 ss:$0x81] =	vst.msk $0xffff, v1;
	s22 =	smulhi.u32 $0x71C71D, s24;
	s26 =	ssub.s32 s29, s31;
	s31 =	sshra.s32 s10, $0x1F  }
0x19: {  	v59 =	vld [tilespmem:s21+$0xFFFFFFF0];
	s25 =	simm.s32 @p1 $0x0;
	s29 =	sand.u32 s31, s10;
	s31 =	sadd.s32 $0xFFFFF880, s26  }
0x1a: {  	v60 =	vld [tilespmem:s21+$0x0];
	s26 =	ssub.s32 $0x800, s26;
	s22 =	smul.u32 $0x240, s22;
	s28 =	ssub.s32 s28, s29  }
0x1b: {  	v61 =	vld [tilespmem:s21+$0x10];
	[tilespmem:s23+$0x3870 ss:$0x81] =	vst.msk $0xffff, v0;
	p1 =	sgt.s32 s31, $0x7F;
	s31 =	sand.u32 $0x400, s27;
	s29 =	sadd.s32 $0xFFFFFE40, s28  }
0x1c: {  	v62 =	vld [tilespmem:s21+$0x20];
	[tilespmem:s23+$0x810 ss:$0x81] =	vst.msk $0xffff, v5;
	s26 =	simm.s32 @p1 $0x0;
	s27 =	ssub.s32 $0x240, s28;
	s22 =	ssub.s32 s24, s22  }
0x1d: {  	v63 =	vld [tilespmem:s21+$0xFFFFFFC0];
	[tilespmem:s23+$0x1020 ss:$0x81] =	vst.msk $0xffff, v58;
	p1 =	sgt.s32 s29, $0x7F;
	s25 =	smul.u32 s26, s25;
	s26 =	sand.u32 $0x78, s12  }
0x1e: {  	[tilespmem:s23+$0x1830 ss:$0x81] =	vst.msk $0xffff, v59;
	s29 =	sand.u32 $0x380, s30;
	s30 =	smul.u32 $0x24000, s11;
	s21 =	sor.u32 s26, s31  }
0x1f: {  	[tilespmem:s23+$0x2040 ss:$0x81] =	vst.msk $0xffff, v60;
	s28 =	sand.u32 $0x7, s12;
	s27 =	simm.s32 @p1 $0x0;
	s21 =	sor.u32 s29, s21  }
0x20: {  	[tilespmem:s23+$0x2850 ss:$0x81] =	vst.msk $0xffff, v61;
	s31 =	smul.u32 s27, s25;
	s27 =	sadd.s32 s4, s30;
	s21 =	sshrl.u32 s21, $0x3  }
0x21: {  	[tilespmem:s23+$0x3060 ss:$0x81] =	vst.msk $0xffff, v62;
	s22 =	sshll.u32 s22, $0x8;
	s29 =	sshll.u32 s28, $0x12;
	s21 =	sadd.s32 s21, s27  }
0x22: {  	[tilespmem:s23+$0x0 ss:$0x81] =	vst.msk $0xffff, v63;
	s30 =	sand.u32 $0x3FFFFFFF, s31;
	s31 =	sor.u32 $0x400, s29;
	s21 =	sadd.s32 s22, s21  }
0x23: {  	[hbm4b:s21+s31] =	stream.strided.scatter [tilespmem:s20], [sflag:$0x2], s30, s9, s31, $0x20;
	[tilespmem:$0x10100] =	vst v63  }
.LBB1_5:
0x24: {  	p1 =	slt.u32 s16, $0x2  }
0x25: {  	p2 =	sgt.s32 @!p1 s19, $0xF  }
0x26: {  	s20 =	smov.u32 s19;
	s21 =	sshra.s32 @!p1 s19, $0x1F;
	p2 =	por !p2, p1  }
0x27: {  	s19 =	sand.u32 @!p1 s21, s19;
	s20 =	simm.s32 @p2 $0xF  }
0x28: {  	p3 =	sgt.s32 @!p1 s18, $0x780;
	s19 =	ssub.s32 @!p1 s20, s19  }
0x29: {  	p3 =	por !p3, p1;
	s21 =	sshra.s32 @!p1 s18, $0x1F;
	s20 =	sadd.s32 @!p1 $0xFFFFFFF1, s19  }
0x2a: {  	s19 =	ssub.s32 @!p1 $0x10, s19;
	p2 =	sgt.s32 @!p1 s20, $0x0;
	s20 =	smov.u32 s18  }
0x2b: {  	s18 =	sand.u32 @!p1 s21, s18;
	s20 =	simm.s32 @p3 $0x780;
	p3 =	sgt.s32 @!p1 s17, $0x1C0  }
0x2c: {  	s21 =	smov.u32 s17;
	p2 =	por !p2, p1;
	p3 =	por !p3, p1  }
0x2d: {  	s18 =	ssub.s32 @!p1 s20, s18;
	s20 =	sshra.s32 @!p1 s17, $0x1F;
	s19 =	simm.s32 @!p2 $0x0  }
0x2e: {  	s21 =	simm.s32 @p3 $0x1C0;
	s17 =	sand.u32 @!p1 s20, s17;
	s20 =	sadd.s32 @!p1 $0xFFFFF880, s18  }
0x2f: {  	s18 =	ssub.s32 @!p1 $0x800, s18;
	s17 =	ssub.s32 @!p1 s21, s17;
	p2 =	sgt.s32 @!p1 s20, $0x7F  }
0x30: {  	s21 =	smov.u32 s14;
	s20 =	sadd.s32 @!p1 $0xFFFFFE40, s17;
	p2 =	por !p2, p1  }
0x31: {  	s17 =	ssub.s32 @!p1 $0x240, s17;
	p3 =	sgt.s32 @!p1 s20, $0x7F;
	s18 =	simm.s32 @!p2 $0x0  }
0x32: {  	s20 =	sadd.s32 $0x80, s13;
	p2 =	por !p3, p1;
	s18 =	smul.u32 @!p1 s18, s19  }
0x33: {  	s19 =	sadd.s32 $0x2, s14;
	s17 =	simm.s32 @!p2 $0x0;
	p2 =	sgt.s32 s20, $0x23F  }
0x34: {  	s22 =	smov.u32 s15;
	s21 =	smov.u32 @p2 s19  }
0x35: {  	s17 =	smul.u32 @!p1 s17, s18;
	s18 =	sadd.s32 $0x800, s15;
	p3 =	sgt.s32 s21, $0xF  }
0x36: {  	p0 =	por !p0, !p0;
	s23 =	simm.s32 @!p1 $0x2;
	s22 =	smov.u32 @p3 s18  }
0x37: {  	s20 =	simm.s32 @p2 $0x0;
	s19 =	smov.u32 s11;
	p2 =	sgt.s32 s22, $0x7FF  }
0x38: {  	s11 =	smov.u32 s14;
	s22 =	smov.u32 @p2 s1;
	p2 =	sne.s32 s16, s8  }
.Ltmp1:
0x39: {  	s17 =	sand.u32 @!p1 $0x3FFFFFFF, s17;
	s21 =	smov.u32 @p3 s2;
	(pc) =	sbr.rel @!p2 .LBB1_6-.Ltmp1, $4  }
0x3a: {  	s18 =	smov.u32 s12;
	s12 =	smov.u32 s15;
	_ =	swait.ge @!p1 [sflag:s23], s17  }
0x3b: {  	s24 =	ssub.s32 @!p1 $0x0, s17;
	s17 =	smov.u32 s10;
	s10 =	smov.u32 s13  }
0x3c: {  	s13 =	smov.u32 s20;
	s14 =	smov.u32 s21;
	[sflag:s23] =	ssyncset.done @!p1 $0x0  }
0x3d: {  	s16 =	sadd.s32 $0x1, s16;
	[sflag:s23] =	ssyncadd.s32 @!p1 s24;
	s15 =	smov.u32 s22  }
.LBB1_1:
0x3e: {  	p1 =	sge.u32 s16, s6  }
0x3f: {  	s20 =	sshrl.u32 @!p1 s14, $0x3  }
0x40: {  	s21 =	sshll.u32 @!p1 s13, $0x3;
	s20 =	smul.u32 @!p1 $0x1400, s20  }
0x41: {  	s22 =	sshll.u32 @!p1 s14, $0x7;
	s21 =	sand.u32 @!p1 $0xFFFFFC00, s21  }
0x42: {  	s20 =	sadd.s32 @!p1 s20, s21;
	s21 =	sand.u32 @!p1 $0x380, s22  }
0x43: {  	s22 =	sand.u32 @!p1 $0x7F, s13;
	s20 =	sor.u32 @!p1 s21, s20  }
0x44: {  	s21 =	sor.u32 @!p1 s22, s20  }
0x45: {  	s22 =	smulhi.u32 @!p1 $0xCCCCCCCD, s21  }
0x46: {  	s20 =	smulhi.u32 @!p1 $0xCCCCCCCD, s20  }
0x47: {  	s22 =	sshrl.u32 @!p1 s22, $0x9  }
0x48: {  	s31 =	sadd.s32 $0xFFFFFFFF, s16;
	s20 =	sshrl.u32 @!p1 s20, $0x9;
	s22 =	smul.u32 @!p1 $0x280, s22  }
0x49: {  	s23 =	sxor.u32 @!p1 $0xFFFFFFFF, s16;
	s24 =	smul.u32 @!p1 $0x500, s15;
	s20 =	sand.u32 @!p1 $0xF, s20  }
0x4a: {  	s23 =	sshll.u32 @!p1 s23, $0xE;
	s20 =	smul.u32 @!p1 $0x50, s20;
	s21 =	ssub.s32 @!p1 s21, s22  }
0x4b: {  	s22 =	sand.u32 @!p1 $0x4000, s23;
	s23 =	sadd.s32 @!p1 s7, s24;
	s24 =	sand.u32 @!p1 $0x7, s21  }
0x4c: {  	s21 =	sshrl.u32 @!p1 s21, $0x3;
	s20 =	sadd.s32 @!p1 s20, s23;
	s23 =	sshll.u32 @!p1 s24, $0x12  }
0x4d: {  	s20 =	sadd.s32 @!p1 s21, s20;
	s21 =	sor.u32 @!p1 $0x80, s23;
	s23 =	simm.s32 @!p1 $0x2800  }
0x4e: {  	[tilespmem:s22], [sflag:$0x1] =	stream.strided.gather @!p1 [hbm4b:s20+s21], $0x4000, s23, s21, $0x38;
	[tilespmem:$0x10100] =	vst v63  }
0x4f: {  	p1 =	sge.u32 s31, s6  }
.Ltmp2:
0x50: {  	_ = 	snop;
	(pc) =	sbr.rel @p1 .LBB1_5-.Ltmp2, $1  }
0x51: {  	_ =	sdelay $0x3  }
0x52: {  	s20 =	simm.s32 $0x1  }
0x53: {  	_ =	swait.ge [sflag:s5], $0x4000;
	s20 =	simm.s32 @!p0 $0x0  }
0x54: {  	[sflag:s5] =	ssyncset.done $0x0;
	s21 =	sshll.u32 s20, $0xE  }
0x55: {  	[sflag:s5] =	ssyncadd.s32 $0xFFFFC000;
	s21 =	sor.u32 $0x40, s21  }
0x56: {  	s20 =	smul.u32 $0x10200, s20;
	v0 =	vld [tilespmem:s21+$0x30]  }
0x57: {  	v1 =	vld [tilespmem:s21+$0xFFFFFFD0]  }
0x58: {  	s20 =	sshrl.u32 s20, $0x2;
	v5 =	vld [tilespmem:s21+$0xFFFFFFE0]  }
0x59: {  	v6 =	vld [tilespmem:s21+$0xFFFFFFF0];
	s23 =	sor.u32 $0x8000, s20  }
0x5a: {  	s31 =	sand.u32 $0x1, s16;
	v4 =	vld [tilespmem:s21+$0x0];
	s22 =	sadd.s32 $0x0, s23  }
0x5b: {  	v3 =	vld [tilespmem:s21+$0x10];
	s20 =	smul.u32 $0x10200, s31;
	[tilespmem:s22+$0x3870 ss:$0x81] =	vst.msk $0xffff, v0  }
0x5c: {  	v2 =	vld [tilespmem:s21+$0x20];
	[tilespmem:s22+$0x810 ss:$0x81] =	vst.msk $0xffff, v1  }
0x5d: {  	s20 =	sshrl.u32 s20, $0x2;
	v1 =	vld [tilespmem:s21+$0xFFFFFFC0];
	[tilespmem:s22+$0x1020 ss:$0x81] =	vst.msk $0xffff, v5;
	s21 =	sadd.s32 $0x80, s21  }
0x5e: {  	s24 =	simm.s32 $0x4;
	s25 =	simm.s32 $0x8;
	s20 =	sor.u32 $0x8000, s20;
	[tilespmem:s22+$0x1830 ss:$0x81] =	vst.msk $0xffff, v6;
	v0 =	vld [tilespmem:s21+$0x30]  }
.LBB1_3:
0x5f: {  	p1 =	sne.s32 s25, $0x1FC;
	v5 =	vld [tilespmem:s21+$0xFFFFFFD0];
	[tilespmem:s22+$0x2040 ss:$0x81] =	vst.msk $0xffff, v4  }
0x60: {  	v6 =	vld [tilespmem:s21+$0xFFFFFFE0];
	[tilespmem:s22+$0x2850 ss:$0x81] =	vst.msk $0xffff, v3  }
0x61: {  	s26 =	sshra.s32 s24, $0x2;
	s24 =	smov.u32 s25;
	v7 =	vld [tilespmem:s21+$0xFFFFFFF0];
	[tilespmem:s22+$0x3060 ss:$0x81] =	vst.msk $0xffff, v2  }
.Ltmp3:
0x62: {  	v4 =	vld [tilespmem:s21+$0x0];
	[tilespmem:s22+$0x0 ss:$0x81] =	vst.msk $0xffff, v1;
	s22 =	sadd.s32 s26, s23;
	(pc) =	sbr.rel @p1 .LBB1_3-.Ltmp3, $4  }
0x63: {  	v3 =	vld [tilespmem:s21+$0x10];
	[tilespmem:s22+$0x3870 ss:$0x81] =	vst.msk $0xffff, v0  }
0x64: {  	[tilespmem:s22+$0x810 ss:$0x81] =	vst.msk $0xffff, v5;
	v2 =	vld [tilespmem:s21+$0x20]  }
0x65: {  	v1 =	vld [tilespmem:s21+$0xFFFFFFC0];
	[tilespmem:s22+$0x1020 ss:$0x81] =	vst.msk $0xffff, v6;
	s21 =	sadd.s32 $0x80, s21  }
0x66: {  	s25 =	sadd.s32 $0x4, s25;
	v0 =	vld [tilespmem:s21+$0x30];
	[tilespmem:s22+$0x1830 ss:$0x81] =	vst.msk $0xffff, v7  }
.Ltmp4:
0x67: {  	_ = 	snop;
	(pc) =	sbr.rel .LBB1_4-.Ltmp4, $1  }
0x68: {  	_ =	sdelay $0x3  }
.LBB1_6:
0x69: {  	_ =	sfence.sel $0x180000  }
0x6a: {  	s1 =	simm.s32 $0x1;
	[bflag:$0x0] =	sbarrier.arrive $0xFFFF  }
0x6b: {  	s31 =	simm.s32 $0x2;
	[sflag:s1] =	ssyncpa.u1 $0x1  }
0x6c: {  	[sflag:s31] =	ssyncpa.u1 $0x1  }
0x6d: {  	p0 =	sne.s32 s0, $0x0;
	_ =	strace $0x9000004A  }
0x6e: {  	s0 =	sadd.s32 @!p0 $0x100000, s3;
	[bflag:$0x2] =	sbarrier.arrive $0xFFFF  }
0x6f: {  	[sflag:s0] =	ssyncadd.tile.s32 @!p0 $0x1;
	_ =	shalt  }
.Lfunc_end1:
_tile_overlayer_lowered:
.L_overlay_start_2:
0x70: {  	(tag) =	ssettag $0x2  }
0x71: {  	s0 =	rddreg [dreg:$0x0];
	s2 =	stileid.u32  }
0x72: {  	s1 =	rddreg [dreg:$0x1];
	p0 =	sne.s32 s2, $0x0  }
0x73: {  	s3 =	rddreg [dreg:$0x2];
	[bflag:$0x3] =	sbarrier.arrive $0xFFFF;
	s2 =	simm.s32 @!p0 $0x1C01  }
0x74: {  	[timem:s3], [sflag:s2] =	dma.local @!p0 [hbm:s0], s1  }
0x75: {  	s0 =	simm.s32 @!p0 $0x1  }
0x76: {  	_ =	swait.ge @!p0 [sflag:s0], s1  }
0x77: {  	s1 =	ssub.s32 @!p0 $0x0, s1;
	[sflag:s0] =	ssyncset.done @!p0 $0x0  }
0x78: {  	[sflag:s0] =	ssyncadd.s32 @!p0 s1  }
0x79: {  	[bflag:$0x3] =	sbarrier.arrive $0xFFFF  }
0x7a: {  	_ =	shalt  }

</sc_bundles>
